<compile_context>
chip_gen: v7x
topology: tpu7x:2x2x1
jax: 0.10.2.dev20260603
libtpu: 0.0.44.dev20260713+nightly
codegen_flags: <defaults>
</compile_context>

<pallas_src>
import functools

import jax
import jax.numpy as jnp
from jax import lax
from jax.experimental import pallas as pl
from jax.experimental.pallas import tpu as pltpu
from jax.experimental.pallas import tpu_sc as plsc

NC = 2
NT = 16
LANES = 16
CHUNK = 128
IDX_BLK = 24
DH = 64
RING = 4


def _build_sc_call(n, n_pad, n_chunks):
  acc_rows = 2 * n_pad
  cpt = n_chunks // NT
  nblk = cpt // IDX_BLK
  assert cpt % IDX_BLK == 0 and IDX_BLK % RING == 0 and nblk >= 2
  assert n % NT == 0
  rows_per_tile = acc_rows // NT
  out_rows_per_tile = n // NT

  mesh = plsc.VectorSubcoreMesh(core_axis_name="c", subcore_axis_name="s")

  @functools.partial(
      pl.kernel,
      mesh=mesh,
      compiler_params=pltpu.CompilerParams(use_tc_tiling_on_sc=False),
      out_type=jax.ShapeDtypeStruct((n, 2 * NC * DH), jnp.float32),
      scratch_types=[
          pltpu.VMEM((2, IDX_BLK, 2, CHUNK), jnp.int32),
          pltpu.VMEM((RING, CHUNK), jnp.int32),
          pltpu.VMEM((RING, CHUNK, DH), jnp.float32),
          pltpu.VMEM_SHARED((acc_rows, DH), jnp.float32),
          pltpu.SemaphoreType.DMA((2,)),
          pltpu.SemaphoreType.DMA((RING,)),
          pltpu.SemaphoreType.DMA((RING,)),
      ],
  )
  def sc_kernel(x_hbm, arr_hbm, out_hbm,
                idxblk, srcb, rows, acc, isem, gsem, ssem):
    cid = lax.axis_index("c")
    tid = lax.axis_index("s")

    def i_desc(bi):
      h = bi & 1
      return pltpu.make_async_copy(
          arr_hbm.at[pl.ds(tid * cpt + bi * IDX_BLK, IDX_BLK)], idxblk.at[h],
          isem.at[h])

    i_desc(0).start()

    zbuf = rows.at[0]

    def zrow(r, carry):
      for j in range(DH // LANES):
        zbuf[r, pl.ds(j * LANES, LANES)] = jnp.zeros((LANES,), jnp.float32)
      return carry

    lax.fori_loop(0, CHUNK, zrow, 0)

    def zcp(q, carry):
      pltpu.sync_copy(zbuf, acc.at[pl.ds(tid * rows_per_tile + q * CHUNK, CHUNK)])
      return carry

    lax.fori_loop(0, rows_per_tile // CHUNK, zcp, 0)
    i_desc(0).wait()
    plsc.subcore_barrier()

    row_base = cid * n

    def build_src(k, b):
      h = (k // IDX_BLK) & 1
      kl = k % IDX_BLK
      for j in range(CHUNK // LANES):
        v = idxblk[h, kl, 0, pl.ds(j * LANES, LANES)]
        srcb[b, pl.ds(j * LANES, LANES)] = v + row_base

    def g_desc(b):
      return pltpu.make_async_copy(x_hbm.at[srcb.at[b]], rows.at[b], gsem.at[b])

    def s_desc(k, b):
      h = (k // IDX_BLK) & 1
      kl = k % IDX_BLK
      return pltpu.make_async_copy(rows.at[b], acc.at[idxblk.at[h, kl, 1]],
                                   ssem.at[b])

    for b in range(2):
      build_src(b, b)
      g_desc(b).start()

    def chunk_body(k, carry):
      kp = k + 2

      @pl.when(kp < cpt)
      def _():
        bn = kp & 3

        @pl.when(k >= 2)
        def _():
          s_desc(k - 2, bn).wait()

        @pl.when(kp % IDX_BLK == 0)
        def _():
          i_desc(kp // IDX_BLK).wait()

        build_src(kp, bn)
        g_desc(bn).start()

      @pl.when(k % IDX_BLK == 4)
      def _():
        bi2 = k // IDX_BLK + 1

        @pl.when(bi2 < nblk)
        def _():
          i_desc(bi2).start()

      b = k & 3
      g_desc(b).wait()
      s_desc(k, b).start(add=True)
      return carry

    lax.fori_loop(0, cpt, chunk_body, 0)
    for k in range(cpt - RING, cpt):
      s_desc(k, k & 3).wait()

    plsc.subcore_barrier()
    r0 = tid * out_rows_per_tile
    pltpu.sync_copy(acc.at[pl.ds(r0, out_rows_per_tile)],
                    out_hbm.at[pl.ds(r0, out_rows_per_tile),
                               pl.ds(cid * DH, DH)])
    pltpu.sync_copy(acc.at[pl.ds(n_pad + r0, out_rows_per_tile)],
                    out_hbm.at[pl.ds(r0, out_rows_per_tile),
                               pl.ds(2 * DH + cid * DH, DH)])

  return sc_kernel


def kernel(x, edge_index, edge_index2):
  n, d = x.shape
  assert d == 2 * DH
  n_pad = ((n + 1023) // 1024) * 1024
  dummy = n_pad - 1

  x2h = jnp.concatenate([x[:, :DH], x[:, DH:]], axis=0)

  src = jnp.concatenate([edge_index[1], edge_index2[1]])
  dst = jnp.concatenate([edge_index[0], edge_index2[0] + n_pad])
  e_tot = src.shape[0]
  grain = NT * IDX_BLK * CHUNK
  e_pad = ((e_tot + grain - 1) // grain) * grain
  src = jnp.pad(src, (0, e_pad - e_tot))
  dst = jnp.pad(dst, (0, e_pad - e_tot), constant_values=dummy)
  n_chunks = e_pad // CHUNK
  arr = jnp.stack([src.reshape(n_chunks, CHUNK), dst.reshape(n_chunks, CHUNK)],
                  axis=1)

  sc_call = _build_sc_call(n, n_pad, n_chunks)
  return sc_call(x2h, arr)

# --- scband reference (transcript-rebuilt; emitter-appended) ---
"""Pipeline reference for scband-h2-gcnconv-21646635172438 (READ-ONLY COPY).

The authoritative reference and input builder live on the scoring server;
editing this copy changes nothing except your own understanding.
"""

import jax, jax.numpy as jnp
import numpy as np

N_NODES = 10000
D_FEAT = 128
E1 = 320000
E2 = 512000


def setup_inputs(seed: int = 0) -> dict:
    key = jax.random.key(seed)
    k1, k2, k3 = jax.random.split(key, 3)
    x = jax.random.normal(k1, (N_NODES, D_FEAT), dtype=jnp.float32)
    edge_index = jax.random.randint(k2, (2, E1), 0, N_NODES, dtype=jnp.int32)
    edge_index2 = jax.random.randint(k3, (2, E2), 0, N_NODES, dtype=jnp.int32)
    return {"x": x, "edge_index": edge_index, "edge_index2": edge_index2}


def reference(x, edge_index, edge_index2):
    # H2GCNConv.forward: x1 = matmul(adj_t, x); x2 = matmul(adj_t2, x); cat([x1, x2], dim=1)
    # SparseTensor matmul with no values == sum aggregation of neighbor features:
    # out[dst] = sum over edges (dst, src) of x[src]
    n = x.shape[0]

    def spmm(ei, feats):
        dst = ei[0]
        src = ei[1]
        gathered = jnp.take(feats, src, axis=0)
        return jax.ops.segment_sum(gathered, dst, num_segments=n)

    x1 = spmm(edge_index, x)
    x2 = spmm(edge_index2, x)
    return jnp.concatenate([x1, x2], axis=1)

if __name__ == "__main__":
    import jax
    _d = setup_inputs()
    print(jax.jit(kernel)(*tuple(_d.values())))

</pallas_src>

<mosaic_0001>
#map = affine_map<(d0, d1) -> (0, 0)>
#map1 = affine_map<(d0, d1) -> (0, 0, 0)>
module attributes {stable_mosaic.version = 14 : i64} {
  func.func @sc_kernel(%arg0: i32, %arg1: i32, %arg2: memref<20000x64xf32, #tpu.memory_space<hbm>>, %arg3: memref<6528x2x128xi32, #tpu.memory_space<hbm>>, %arg4: memref<10000x256xf32, #tpu.memory_space<hbm>>, %arg5: memref<2x24x2x128xi32, #tpu.memory_space<vmem>>, %arg6: memref<4x128xi32, #tpu.memory_space<vmem>>, %arg7: memref<4x128x64xf32, #tpu.memory_space<vmem>>, %arg8: memref<20480x64xf32, #tpu.memory_space<vmem_shared>>, %arg9: memref<2x!tpu.dma_semaphore, #tpu.memory_space<semaphore_mem>>, %arg10: memref<4x!tpu.dma_semaphore, #tpu.memory_space<semaphore_mem>>, %arg11: memref<4x!tpu.dma_semaphore, #tpu.memory_space<semaphore_mem>>) attributes {dimension_semantics = [#tpu.dimension_semantics<core_parallel>, #tpu.dimension_semantics<subcore_parallel>], iteration_bounds = array<i64: 2, 16>, scalar_prefetch = 0 : i64, scratch_operands = 7 : i64, tpu.core_type = #tpu.core_type<sc_vector_subcore>, window_params = [{transform_indices = #map}, {transform_indices = #map1}, {transform_indices = #map}]} {
    %mul3A = arith.constant 408 : i32
    %mul3A_0 = arith.muli %arg1, %mul3A : i32
    %add3A = arith.constant 0 : i32
    %add3A_1 = arith.addi %mul3A_0, %add3A : i32
    %dma_start3A = arith.constant 0 : i32
    %dma_start3A_2 = arith.constant 0 : i32
    %dma_start3A_3 = arith.constant 0 : i32
    %dma_start3A_4 = arith.constant 0 : i32
    %dma_start3A_5 = arith.constant 0 : i32
    %dma_start3A_6 = tpu.memref_slice %arg5[%dma_start3A, %dma_start3A_3, %dma_start3A_4, %dma_start3A_5] : memref<2x24x2x128xi32, #tpu.memory_space<vmem>> -> memref<1x24x2x128xi32, #tpu.memory_space<vmem>>
    %dma_start3A_7 = tpu.memref_squeeze %dma_start3A_6 : memref<1x24x2x128xi32, #tpu.memory_space<vmem>> -> memref<24x2x128xi32, #tpu.memory_space<vmem>>
    %dma_start3A_8 = arith.constant 0 : i32
    %dma_start3A_9 = arith.constant 0 : i32
    %dma_start3A_10 = tpu.memref_slice %arg3[%add3A_1, %dma_start3A_8, %dma_start3A_9] : memref<6528x2x128xi32, #tpu.memory_space<hbm>> -> memref<24x2x128xi32, #tpu.memory_space<hbm>>
    %dma_start3A_11 = tpu.memref_slice %arg9[%dma_start3A_2] : memref<2x!tpu.dma_semaphore, #tpu.memory_space<semaphore_mem>> -> memref<1x!tpu.dma_semaphore, #tpu.memory_space<semaphore_mem>>
    %dma_start3A_12 = tpu.memref_squeeze %dma_start3A_11 : memref<1x!tpu.dma_semaphore, #tpu.memory_space<semaphore_mem>> -> memref<!tpu.dma_semaphore, #tpu.memory_space<semaphore_mem>>
    %dma_start3A_13 = arith.constant 0 : i32
    %dma_start3A_14 = arith.constant 0 : i32
    %dma_start3A_15 = arith.constant 0 : i32
    %dma_start3A_16 = tpu.memref_slice %arg5[%dma_start3A, %dma_start3A_13, %dma_start3A_14, %dma_start3A_15] : memref<2x24x2x128xi32, #tpu.memory_space<vmem>> -> memref<1x24x2x128xi32, #tpu.memory_space<vmem>>
    %dma_start3A_17 = tpu.memref_squeeze %dma_start3A_16 : memref<1x24x2x128xi32, #tpu.memory_space<vmem>> -> memref<24x2x128xi32, #tpu.memory_space<vmem>>
    %dma_start3A_18 = arith.constant 0 : i32
    %dma_start3A_19 = arith.constant 0 : i32
    %dma_start3A_20 = tpu.memref_slice %arg3[%add3A_1, %dma_start3A_18, %dma_start3A_19] : memref<6528x2x128xi32, #tpu.memory_space<hbm>> -> memref<24x2x128xi32, #tpu.memory_space<hbm>>
    tpu.enqueue_dma source(%dma_start3A_20 : memref<24x2x128xi32, #tpu.memory_space<hbm>>) target(%dma_start3A_17 : memref<24x2x128xi32, #tpu.memory_space<vmem>>) target_semaphore(%dma_start3A_12 : memref<!tpu.dma_semaphore, #tpu.memory_space<semaphore_mem>>)
    %scan3A = arith.constant 0 : i32
    %scan3A_21 = arith.constant 0 : i32
    %scan3A_22 = arith.constant 0 : i32
    %scan3A_23 = arith.constant 128 : i32
    %scan3A_24 = arith.addi %scan3A_22, %scan3A_23 : i32
    %scan3A_25 = arith.constant 1 : i32
    scf.for %scan3A_444 = %scan3A_22 to %scan3A_24 step %scan3A_25  : i32 {
      %broadcast_in_dim3A = arith.constant 0.000000e+00 : f32
      %broadcast_in_dim3A_445 = vector.broadcast %broadcast_in_dim3A : f32 to vector<16xf32>
      %swap3A_446 = arith.constant 0 : i32
      %swap3A_447 = arith.constant 0 : i32
      %swap3A_448 = tpu.memref_slice %arg7[%scan3A_21, %swap3A_446, %swap3A_447] : memref<4x128x64xf32, #tpu.memory_space<vmem>> -> memref<1x128x64xf32, #tpu.memory_space<vmem>>
      %swap3A_449 = tpu.memref_squeeze %swap3A_448 : memref<1x128x64xf32, #tpu.memory_space<vmem>> -> memref<128x64xf32, #tpu.memory_space<vmem>>
      %swap3A_450 = arith.index_cast %scan3A_444 : i32 to index
      %swap3A_451 = arith.constant 0 : index
      %swap3A_452 = tpu.vector_load %swap3A_449[%swap3A_450, %swap3A_451] {strides = array<i32>} : memref<128x64xf32, #tpu.memory_space<vmem>>, vector<1x16xf32>,
      %swap3A_453 = vector.shape_cast %swap3A_452 : vector<1x16xf32> to vector<16xf32>
      %swap3A_454 = vector.shape_cast %broadcast_in_dim3A_445 : vector<16xf32> to vector<1x16xf32>
      tpu.vector_store %swap3A_449[%swap3A_450, %swap3A_451], %swap3A_454 {strides = array<i32>} : memref<128x64xf32, #tpu.memory_space<vmem>>, vector<1x16xf32>,
      %broadcast_in_dim3A_455 = arith.constant 0.000000e+00 : f32
      %broadcast_in_dim3A_456 = vector.broadcast %broadcast_in_dim3A_455 : f32 to vector<16xf32>
      %swap3A_457 = arith.constant 0 : i32
      %swap3A_458 = arith.constant 0 : i32
      %swap3A_459 = tpu.memref_slice %arg7[%scan3A_21, %swap3A_457, %swap3A_458] : memref<4x128x64xf32, #tpu.memory_space<vmem>> -> memref<1x128x64xf32, #tpu.memory_space<vmem>>
      %swap3A_460 = tpu.memref_squeeze %swap3A_459 : memref<1x128x64xf32, #tpu.memory_space<vmem>> -> memref<128x64xf32, #tpu.memory_space<vmem>>
      %swap3A_461 = arith.index_cast %scan3A_444 : i32 to index
      %swap3A_462 = arith.constant 16 : index
      %swap3A_463 = tpu.vector_load %swap3A_460[%swap3A_461, %swap3A_462] {strides = array<i32>} : memref<128x64xf32, #tpu.memory_space<vmem>>, vector<1x16xf32>,
      %swap3A_464 = vector.shape_cast %swap3A_463 : vector<1x16xf32> to vector<16xf32>
      %swap3A_465 = vector.shape_cast %broadcast_in_dim3A_456 : vector<16xf32> to vector<1x16xf32>
      tpu.vector_store %swap3A_460[%swap3A_461, %swap3A_462], %swap3A_465 {strides = array<i32>} : memref<128x64xf32, #tpu.memory_space<vmem>>, vector<1x16xf32>,
      %broadcast_in_dim3A_466 = arith.constant 0.000000e+00 : f32
      %broadcast_in_dim3A_467 = vector.broadcast %broadcast_in_dim3A_466 : f32 to vector<16xf32>
      %swap3A_468 = arith.constant 0 : i32
      %swap3A_469 = arith.constant 0 : i32
      %swap3A_470 = tpu.memref_slice %arg7[%scan3A_21, %swap3A_468, %swap3A_469] : memref<4x128x64xf32, #tpu.memory_space<vmem>> -> memref<1x128x64xf32, #tpu.memory_space<vmem>>
      %swap3A_471 = tpu.memref_squeeze %swap3A_470 : memref<1x128x64xf32, #tpu.memory_space<vmem>> -> memref<128x64xf32, #tpu.memory_space<vmem>>
      %swap3A_472 = arith.index_cast %scan3A_444 : i32 to index
      %swap3A_473 = arith.constant 32 : index
      %swap3A_474 = tpu.vector_load %swap3A_471[%swap3A_472, %swap3A_473] {strides = array<i32>} : memref<128x64xf32, #tpu.memory_space<vmem>>, vector<1x16xf32>,
      %swap3A_475 = vector.shape_cast %swap3A_474 : vector<1x16xf32> to vector<16xf32>
      %swap3A_476 = vector.shape_cast %broadcast_in_dim3A_467 : vector<16xf32> to vector<1x16xf32>
      tpu.vector_store %swap3A_471[%swap3A_472, %swap3A_473], %swap3A_476 {strides = array<i32>} : memref<128x64xf32, #tpu.memory_space<vmem>>, vector<1x16xf32>,
      %broadcast_in_dim3A_477 = arith.constant 0.000000e+00 : f32
      %broadcast_in_dim3A_478 = vector.broadcast %broadcast_in_dim3A_477 : f32 to vector<16xf32>
      %swap3A_479 = arith.constant 0 : i32
      %swap3A_480 = arith.constant 0 : i32
      %swap3A_481 = tpu.memref_slice %arg7[%scan3A_21, %swap3A_479, %swap3A_480] : memref<4x128x64xf32, #tpu.memory_space<vmem>> -> memref<1x128x64xf32, #tpu.memory_space<vmem>>
      %swap3A_482 = tpu.memref_squeeze %swap3A_481 : memref<1x128x64xf32, #tpu.memory_space<vmem>> -> memref<128x64xf32, #tpu.memory_space<vmem>>
      %swap3A_483 = arith.index_cast %scan3A_444 : i32 to index
      %swap3A_484 = arith.constant 48 : index
      %swap3A_485 = tpu.vector_load %swap3A_482[%swap3A_483, %swap3A_484] {strides = array<i32>} : memref<128x64xf32, #tpu.memory_space<vmem>>, vector<1x16xf32>,
      %swap3A_486 = vector.shape_cast %swap3A_485 : vector<1x16xf32> to vector<16xf32>
      %swap3A_487 = vector.shape_cast %broadcast_in_dim3A_478 : vector<16xf32> to vector<1x16xf32>
      tpu.vector_store %swap3A_482[%swap3A_483, %swap3A_484], %swap3A_487 {strides = array<i32>} : memref<128x64xf32, #tpu.memory_space<vmem>>, vector<1x16xf32>,
    }
    %scan3A_26 = arith.constant 128 : i32
    %scan3A_27 = arith.constant 0 : i32
    %scan3A_28 = arith.constant 0 : i32
    %scan3A_29 = arith.constant 0 : i32
    %scan3A_30 = arith.constant 10 : i32
    %scan3A_31 = arith.addi %scan3A_29, %scan3A_30 : i32
    %scan3A_32 = arith.constant 1 : i32
    scf.for %scan3A_444 = %scan3A_29 to %scan3A_31 step %scan3A_32  : i32 {
      %mul3A_445 = arith.constant 1280 : i32
      %mul3A_446 = arith.muli %arg1, %mul3A_445 : i32
      %mul3A_447 = arith.constant 128 : i32
      %mul3A_448 = arith.muli %scan3A_444, %mul3A_447 : i32
      %add3A_449 = arith.addi %mul3A_446, %mul3A_448 : i32
      "tpu.region"() ({
        %run_scoped3A = tpu.sem_alloc : memref<!tpu.dma_semaphore, #tpu.memory_space<semaphore_mem>>
        %dma_start3A_450 = arith.constant 0 : i32
        %dma_start3A_451 = arith.constant 0 : i32
        %dma_start3A_452 = tpu.memref_slice %arg7[%scan3A_28, %dma_start3A_450, %dma_start3A_451] : memref<4x128x64xf32, #tpu.memory_space<vmem>> -> memref<1x128x64xf32, #tpu.memory_space<vmem>>
        %dma_start3A_453 = tpu.memref_squeeze %dma_start3A_452 : memref<1x128x64xf32, #tpu.memory_space<vmem>> -> memref<128x64xf32, #tpu.memory_space<vmem>>
        %dma_start3A_454 = arith.constant 0 : i32
        %dma_start3A_455 = tpu.memref_slice %arg8[%add3A_449, %dma_start3A_454] : memref<20480x64xf32, #tpu.memory_space<vmem_shared>> -> memref<128x64xf32, #tpu.memory_space<vmem_shared>>
        %dma_start3A_456 = arith.constant 0 : i32
        %dma_start3A_457 = tpu.memref_slice %arg8[%add3A_449, %dma_start3A_456] : memref<20480x64xf32, #tpu.memory_space<vmem_shared>> -> memref<128x64xf32, #tpu.memory_space<vmem_shared>>
        %dma_start3A_458 = arith.constant 0 : i32
        %dma_start3A_459 = arith.constant 0 : i32
        %dma_start3A_460 = tpu.memref_slice %arg7[%scan3A_28, %dma_start3A_458, %dma_start3A_459] : memref<4x128x64xf32, #tpu.memory_space<vmem>> -> memref<1x128x64xf32, #tpu.memory_space<vmem>>
        %dma_start3A_461 = tpu.memref_squeeze %dma_start3A_460 : memref<1x128x64xf32, #tpu.memory_space<vmem>> -> memref<128x64xf32, #tpu.memory_space<vmem>>
        tpu.enqueue_dma source(%dma_start3A_461 : memref<128x64xf32, #tpu.memory_space<vmem>>) target(%dma_start3A_457 : memref<128x64xf32, #tpu.memory_space<vmem_shared>>) target_semaphore(%run_scoped3A : memref<!tpu.dma_semaphore, #tpu.memory_space<semaphore_mem>>)
        %dma_wait3A_462 = arith.constant 0 : i32
        %dma_wait3A_463 = arith.constant 0 : i32
        %dma_wait3A_464 = tpu.memref_slice %arg7[%scan3A_28, %dma_wait3A_462, %dma_wait3A_463] : memref<4x128x64xf32, #tpu.memory_space<vmem>> -> memref<1x128x64xf32, #tpu.memory_space<vmem>>
        %dma_wait3A_465 = tpu.memref_squeeze %dma_wait3A_464 : memref<1x128x64xf32, #tpu.memory_space<vmem>> -> memref<128x64xf32, #tpu.memory_space<vmem>>
        %dma_wait3A_466 = arith.constant 0 : i32
        %dma_wait3A_467 = tpu.memref_slice %arg8[%add3A_449, %dma_wait3A_466] : memref<20480x64xf32, #tpu.memory_space<vmem_shared>> -> memref<128x64xf32, #tpu.memory_space<vmem_shared>>
        %dma_wait3A_468 = arith.constant 0 : i32
        %dma_wait3A_469 = tpu.memref_slice %arg8[%add3A_449, %dma_wait3A_468] : memref<20480x64xf32, #tpu.memory_space<vmem_shared>> -> memref<128x64xf32, #tpu.memory_space<vmem_shared>>
        %dma_wait3A_470 = arith.constant 0 : i32
        %dma_wait3A_471 = arith.constant 0 : i32
        %dma_wait3A_472 = tpu.memref_slice %arg7[%scan3A_28, %dma_wait3A_470, %dma_wait3A_471] : memref<4x128x64xf32, #tpu.memory_space<vmem>> -> memref<1x128x64xf32, #tpu.memory_space<vmem>>
        %dma_wait3A_473 = tpu.memref_squeeze %dma_wait3A_472 : memref<1x128x64xf32, #tpu.memory_space<vmem>> -> memref<128x64xf32, #tpu.memory_space<vmem>>
        tpu.wait_dma2 semaphore(%run_scoped3A : memref<!tpu.dma_semaphore, #tpu.memory_space<semaphore_mem>>) src(%dma_wait3A_473 : memref<128x64xf32, #tpu.memory_space<vmem>>) dst(%dma_wait3A_469 : memref<128x64xf32, #tpu.memory_space<vmem_shared>>)
        tpu.yield
      }) : () -> ()
    }
    %scan3A_33 = arith.constant 10 : i32
    %mul3A_34 = arith.constant 408 : i32
    %mul3A_35 = arith.muli %arg1, %mul3A_34 : i32
    %add3A_36 = arith.constant 0 : i32
    %add3A_37 = arith.addi %mul3A_35, %add3A_36 : i32
    %dma_wait3A = arith.constant 0 : i32
    %dma_wait3A_38 = arith.constant 0 : i32
    %dma_wait3A_39 = arith.constant 0 : i32
    %dma_wait3A_40 = arith.constant 0 : i32
    %dma_wait3A_41 = arith.constant 0 : i32
    %dma_wait3A_42 = tpu.memref_slice %arg5[%dma_wait3A, %dma_wait3A_39, %dma_wait3A_40, %dma_wait3A_41] : memref<2x24x2x128xi32, #tpu.memory_space<vmem>> -> memref<1x24x2x128xi32, #tpu.memory_space<vmem>>
    %dma_wait3A_43 = tpu.memref_squeeze %dma_wait3A_42 : memref<1x24x2x128xi32, #tpu.memory_space<vmem>> -> memref<24x2x128xi32, #tpu.memory_space<vmem>>
    %dma_wait3A_44 = arith.constant 0 : i32
    %dma_wait3A_45 = arith.constant 0 : i32
    %dma_wait3A_46 = tpu.memref_slice %arg3[%add3A_37, %dma_wait3A_44, %dma_wait3A_45] : memref<6528x2x128xi32, #tpu.memory_space<hbm>> -> memref<24x2x128xi32, #tpu.memory_space<hbm>>
    %dma_wait3A_47 = tpu.memref_slice %arg9[%dma_wait3A_38] : memref<2x!tpu.dma_semaphore, #tpu.memory_space<semaphore_mem>> -> memref<1x!tpu.dma_semaphore, #tpu.memory_space<semaphore_mem>>
    %dma_wait3A_48 = tpu.memref_squeeze %dma_wait3A_47 : memref<1x!tpu.dma_semaphore, #tpu.memory_space<semaphore_mem>> -> memref<!tpu.dma_semaphore, #tpu.memory_space<semaphore_mem>>
    %dma_wait3A_49 = arith.constant 0 : i32
    %dma_wait3A_50 = arith.constant 0 : i32
    %dma_wait3A_51 = arith.constant 0 : i32
    %dma_wait3A_52 = tpu.memref_slice %arg5[%dma_wait3A, %dma_wait3A_49, %dma_wait3A_50, %dma_wait3A_51] : memref<2x24x2x128xi32, #tpu.memory_space<vmem>> -> memref<1x24x2x128xi32, #tpu.memory_space<vmem>>
    %dma_wait3A_53 = tpu.memref_squeeze %dma_wait3A_52 : memref<1x24x2x128xi32, #tpu.memory_space<vmem>> -> memref<24x2x128xi32, #tpu.memory_space<vmem>>
    %dma_wait3A_54 = arith.constant 0 : i32
    %dma_wait3A_55 = arith.constant 0 : i32
    %dma_wait3A_56 = tpu.memref_slice %arg3[%add3A_37, %dma_wait3A_54, %dma_wait3A_55] : memref<6528x2x128xi32, #tpu.memory_space<hbm>> -> memref<24x2x128xi32, #tpu.memory_space<hbm>>
    tpu.wait_dma2 semaphore(%dma_wait3A_48 : memref<!tpu.dma_semaphore, #tpu.memory_space<semaphore_mem>>) src(%dma_wait3A_56 : memref<24x2x128xi32, #tpu.memory_space<hbm>>) dst(%dma_wait3A_53 : memref<24x2x128xi32, #tpu.memory_space<vmem>>)
    %barrier3A = arith.constant 0 : index
    tpu.barrier barrier_id(%barrier3A)
    %mul3A_57 = arith.constant 10000 : i32
    %mul3A_58 = arith.muli %arg0, %mul3A_57 : i32
    %get3A = arith.constant 0 : i32
    %get3A_59 = arith.constant 0 : i32
    %get3A_60 = arith.constant 0 : i32
    %get3A_61 = arith.index_cast %get3A : i32 to index
    %get3A_62 = arith.index_cast %get3A_59 : i32 to index
    %get3A_63 = arith.index_cast %get3A_60 : i32 to index
    %get3A_64 = arith.constant 0 : index
    %get3A_65 = tpu.vector_load %arg5[%get3A_61, %get3A_62, %get3A_63, %get3A_64] {strides = array<i32>} : memref<2x24x2x128xi32, #tpu.memory_space<vmem>>, vector<1x1x1x16xi32>,
    %get3A_66 = vector.shape_cast %get3A_65 : vector<1x1x1x16xi32> to vector<16xi32>
    %add3A_67 = vector.broadcast %mul3A_58 : i32 to vector<16xi32>
    %add3A_68 = arith.addi %get3A_66, %add3A_67 : vector<16xi32>
    %swap3A = arith.constant 0 : i32
    %swap3A_69 = arith.index_cast %swap3A : i32 to index
    %swap3A_70 = arith.constant 0 : index
    %swap3A_71 = tpu.vector_load %arg6[%swap3A_69, %swap3A_70] {strides = array<i32>} : memref<4x128xi32, #tpu.memory_space<vmem>>, vector<1x16xi32>,
    %swap3A_72 = vector.shape_cast %swap3A_71 : vector<1x16xi32> to vector<16xi32>
    %swap3A_73 = vector.shape_cast %add3A_68 : vector<16xi32> to vector<1x16xi32>
    tpu.vector_store %arg6[%swap3A_69, %swap3A_70], %swap3A_73 {strides = array<i32>} : memref<4x128xi32, #tpu.memory_space<vmem>>, vector<1x16xi32>,
    %get3A_74 = arith.constant 0 : i32
    %get3A_75 = arith.constant 0 : i32
    %get3A_76 = arith.constant 0 : i32
    %get3A_77 = arith.index_cast %get3A_74 : i32 to index
    %get3A_78 = arith.index_cast %get3A_75 : i32 to index
    %get3A_79 = arith.index_cast %get3A_76 : i32 to index
    %get3A_80 = arith.constant 16 : index
    %get3A_81 = tpu.vector_load %arg5[%get3A_77, %get3A_78, %get3A_79, %get3A_80] {strides = array<i32>} : memref<2x24x2x128xi32, #tpu.memory_space<vmem>>, vector<1x1x1x16xi32>,
    %get3A_82 = vector.shape_cast %get3A_81 : vector<1x1x1x16xi32> to vector<16xi32>
    %add3A_83 = vector.broadcast %mul3A_58 : i32 to vector<16xi32>
    %add3A_84 = arith.addi %get3A_82, %add3A_83 : vector<16xi32>
    %swap3A_85 = arith.constant 0 : i32
    %swap3A_86 = arith.index_cast %swap3A_85 : i32 to index
    %swap3A_87 = arith.constant 16 : index
    %swap3A_88 = tpu.vector_load %arg6[%swap3A_86, %swap3A_87] {strides = array<i32>} : memref<4x128xi32, #tpu.memory_space<vmem>>, vector<1x16xi32>,
    %swap3A_89 = vector.shape_cast %swap3A_88 : vector<1x16xi32> to vector<16xi32>
    %swap3A_90 = vector.shape_cast %add3A_84 : vector<16xi32> to vector<1x16xi32>
    tpu.vector_store %arg6[%swap3A_86, %swap3A_87], %swap3A_90 {strides = array<i32>} : memref<4x128xi32, #tpu.memory_space<vmem>>, vector<1x16xi32>,
    %get3A_91 = arith.constant 0 : i32
    %get3A_92 = arith.constant 0 : i32
    %get3A_93 = arith.constant 0 : i32
    %get3A_94 = arith.index_cast %get3A_91 : i32 to index
    %get3A_95 = arith.index_cast %get3A_92 : i32 to index
    %get3A_96 = arith.index_cast %get3A_93 : i32 to index
    %get3A_97 = arith.constant 32 : index
    %get3A_98 = tpu.vector_load %arg5[%get3A_94, %get3A_95, %get3A_96, %get3A_97] {strides = array<i32>} : memref<2x24x2x128xi32, #tpu.memory_space<vmem>>, vector<1x1x1x16xi32>,
    %get3A_99 = vector.shape_cast %get3A_98 : vector<1x1x1x16xi32> to vector<16xi32>
    %add3A_100 = vector.broadcast %mul3A_58 : i32 to vector<16xi32>
    %add3A_101 = arith.addi %get3A_99, %add3A_100 : vector<16xi32>
    %swap3A_102 = arith.constant 0 : i32
    %swap3A_103 = arith.index_cast %swap3A_102 : i32 to index
    %swap3A_104 = arith.constant 32 : index
    %swap3A_105 = tpu.vector_load %arg6[%swap3A_103, %swap3A_104] {strides = array<i32>} : memref<4x128xi32, #tpu.memory_space<vmem>>, vector<1x16xi32>,
    %swap3A_106 = vector.shape_cast %swap3A_105 : vector<1x16xi32> to vector<16xi32>
    %swap3A_107 = vector.shape_cast %add3A_101 : vector<16xi32> to vector<1x16xi32>
    tpu.vector_store %arg6[%swap3A_103, %swap3A_104], %swap3A_107 {strides = array<i32>} : memref<4x128xi32, #tpu.memory_space<vmem>>, vector<1x16xi32>,
    %get3A_108 = arith.constant 0 : i32
    %get3A_109 = arith.constant 0 : i32
    %get3A_110 = arith.constant 0 : i32
    %get3A_111 = arith.index_cast %get3A_108 : i32 to index
    %get3A_112 = arith.index_cast %get3A_109 : i32 to index
    %get3A_113 = arith.index_cast %get3A_110 : i32 to index
    %get3A_114 = arith.constant 48 : index
    %get3A_115 = tpu.vector_load %arg5[%get3A_111, %get3A_112, %get3A_113, %get3A_114] {strides = array<i32>} : memref<2x24x2x128xi32, #tpu.memory_space<vmem>>, vector<1x1x1x16xi32>,
    %get3A_116 = vector.shape_cast %get3A_115 : vector<1x1x1x16xi32> to vector<16xi32>
    %add3A_117 = vector.broadcast %mul3A_58 : i32 to vector<16xi32>
    %add3A_118 = arith.addi %get3A_116, %add3A_117 : vector<16xi32>
    %swap3A_119 = arith.constant 0 : i32
    %swap3A_120 = arith.index_cast %swap3A_119 : i32 to index
    %swap3A_121 = arith.constant 48 : index
    %swap3A_122 = tpu.vector_load %arg6[%swap3A_120, %swap3A_121] {strides = array<i32>} : memref<4x128xi32, #tpu.memory_space<vmem>>, vector<1x16xi32>,
    %swap3A_123 = vector.shape_cast %swap3A_122 : vector<1x16xi32> to vector<16xi32>
    %swap3A_124 = vector.shape_cast %add3A_118 : vector<16xi32> to vector<1x16xi32>
    tpu.vector_store %arg6[%swap3A_120, %swap3A_121], %swap3A_124 {strides = array<i32>} : memref<4x128xi32, #tpu.memory_space<vmem>>, vector<1x16xi32>,
    %get3A_125 = arith.constant 0 : i32
    %get3A_126 = arith.constant 0 : i32
    %get3A_127 = arith.constant 0 : i32
    %get3A_128 = arith.index_cast %get3A_125 : i32 to index
    %get3A_129 = arith.index_cast %get3A_126 : i32 to index
    %get3A_130 = arith.index_cast %get3A_127 : i32 to index
    %get3A_131 = arith.constant 64 : index
    %get3A_132 = tpu.vector_load %arg5[%get3A_128, %get3A_129, %get3A_130, %get3A_131] {strides = array<i32>} : memref<2x24x2x128xi32, #tpu.memory_space<vmem>>, vector<1x1x1x16xi32>,
    %get3A_133 = vector.shape_cast %get3A_132 : vector<1x1x1x16xi32> to vector<16xi32>
    %add3A_134 = vector.broadcast %mul3A_58 : i32 to vector<16xi32>
    %add3A_135 = arith.addi %get3A_133, %add3A_134 : vector<16xi32>
    %swap3A_136 = arith.constant 0 : i32
    %swap3A_137 = arith.index_cast %swap3A_136 : i32 to index
    %swap3A_138 = arith.constant 64 : index
    %swap3A_139 = tpu.vector_load %arg6[%swap3A_137, %swap3A_138] {strides = array<i32>} : memref<4x128xi32, #tpu.memory_space<vmem>>, vector<1x16xi32>,
    %swap3A_140 = vector.shape_cast %swap3A_139 : vector<1x16xi32> to vector<16xi32>
    %swap3A_141 = vector.shape_cast %add3A_135 : vector<16xi32> to vector<1x16xi32>
    tpu.vector_store %arg6[%swap3A_137, %swap3A_138], %swap3A_141 {strides = array<i32>} : memref<4x128xi32, #tpu.memory_space<vmem>>, vector<1x16xi32>,
    %get3A_142 = arith.constant 0 : i32
    %get3A_143 = arith.constant 0 : i32
    %get3A_144 = arith.constant 0 : i32
    %get3A_145 = arith.index_cast %get3A_142 : i32 to index
    %get3A_146 = arith.index_cast %get3A_143 : i32 to index
    %get3A_147 = arith.index_cast %get3A_144 : i32 to index
    %get3A_148 = arith.constant 80 : index
    %get3A_149 = tpu.vector_load %arg5[%get3A_145, %get3A_146, %get3A_147, %get3A_148] {strides = array<i32>} : memref<2x24x2x128xi32, #tpu.memory_space<vmem>>, vector<1x1x1x16xi32>,
    %get3A_150 = vector.shape_cast %get3A_149 : vector<1x1x1x16xi32> to vector<16xi32>
    %add3A_151 = vector.broadcast %mul3A_58 : i32 to vector<16xi32>
    %add3A_152 = arith.addi %get3A_150, %add3A_151 : vector<16xi32>
    %swap3A_153 = arith.constant 0 : i32
    %swap3A_154 = arith.index_cast %swap3A_153 : i32 to index
    %swap3A_155 = arith.constant 80 : index
    %swap3A_156 = tpu.vector_load %arg6[%swap3A_154, %swap3A_155] {strides = array<i32>} : memref<4x128xi32, #tpu.memory_space<vmem>>, vector<1x16xi32>,
    %swap3A_157 = vector.shape_cast %swap3A_156 : vector<1x16xi32> to vector<16xi32>
    %swap3A_158 = vector.shape_cast %add3A_152 : vector<16xi32> to vector<1x16xi32>
    tpu.vector_store %arg6[%swap3A_154, %swap3A_155], %swap3A_158 {strides = array<i32>} : memref<4x128xi32, #tpu.memory_space<vmem>>, vector<1x16xi32>,
    %get3A_159 = arith.constant 0 : i32
    %get3A_160 = arith.constant 0 : i32
    %get3A_161 = arith.constant 0 : i32
    %get3A_162 = arith.index_cast %get3A_159 : i32 to index
    %get3A_163 = arith.index_cast %get3A_160 : i32 to index
    %get3A_164 = arith.index_cast %get3A_161 : i32 to index
    %get3A_165 = arith.constant 96 : index
    %get3A_166 = tpu.vector_load %arg5[%get3A_162, %get3A_163, %get3A_164, %get3A_165] {strides = array<i32>} : memref<2x24x2x128xi32, #tpu.memory_space<vmem>>, vector<1x1x1x16xi32>,
    %get3A_167 = vector.shape_cast %get3A_166 : vector<1x1x1x16xi32> to vector<16xi32>
    %add3A_168 = vector.broadcast %mul3A_58 : i32 to vector<16xi32>
    %add3A_169 = arith.addi %get3A_167, %add3A_168 : vector<16xi32>
    %swap3A_170 = arith.constant 0 : i32
    %swap3A_171 = arith.index_cast %swap3A_170 : i32 to index
    %swap3A_172 = arith.constant 96 : index
    %swap3A_173 = tpu.vector_load %arg6[%swap3A_171, %swap3A_172] {strides = array<i32>} : memref<4x128xi32, #tpu.memory_space<vmem>>, vector<1x16xi32>,
    %swap3A_174 = vector.shape_cast %swap3A_173 : vector<1x16xi32> to vector<16xi32>
    %swap3A_175 = vector.shape_cast %add3A_169 : vector<16xi32> to vector<1x16xi32>
    tpu.vector_store %arg6[%swap3A_171, %swap3A_172], %swap3A_175 {strides = array<i32>} : memref<4x128xi32, #tpu.memory_space<vmem>>, vector<1x16xi32>,
    %get3A_176 = arith.constant 0 : i32
    %get3A_177 = arith.constant 0 : i32
    %get3A_178 = arith.constant 0 : i32
    %get3A_179 = arith.index_cast %get3A_176 : i32 to index
    %get3A_180 = arith.index_cast %get3A_177 : i32 to index
    %get3A_181 = arith.index_cast %get3A_178 : i32 to index
    %get3A_182 = arith.constant 112 : index
    %get3A_183 = tpu.vector_load %arg5[%get3A_179, %get3A_180, %get3A_181, %get3A_182] {strides = array<i32>} : memref<2x24x2x128xi32, #tpu.memory_space<vmem>>, vector<1x1x1x16xi32>,
    %get3A_184 = vector.shape_cast %get3A_183 : vector<1x1x1x16xi32> to vector<16xi32>
    %add3A_185 = vector.broadcast %mul3A_58 : i32 to vector<16xi32>
    %add3A_186 = arith.addi %get3A_184, %add3A_185 : vector<16xi32>
    %swap3A_187 = arith.constant 0 : i32
    %swap3A_188 = arith.index_cast %swap3A_187 : i32 to index
    %swap3A_189 = arith.constant 112 : index
    %swap3A_190 = tpu.vector_load %arg6[%swap3A_188, %swap3A_189] {strides = array<i32>} : memref<4x128xi32, #tpu.memory_space<vmem>>, vector<1x16xi32>,
    %swap3A_191 = vector.shape_cast %swap3A_190 : vector<1x16xi32> to vector<16xi32>
    %swap3A_192 = vector.shape_cast %add3A_186 : vector<16xi32> to vector<1x16xi32>
    tpu.vector_store %arg6[%swap3A_188, %swap3A_189], %swap3A_192 {strides = array<i32>} : memref<4x128xi32, #tpu.memory_space<vmem>>, vector<1x16xi32>,
    %dma_start3A_193 = arith.constant 0 : i32
    %dma_start3A_194 = arith.constant 0 : i32
    %dma_start3A_195 = arith.constant 0 : i32
    %dma_start3A_196 = arith.constant 0 : i32
    %dma_start3A_197 = arith.constant 0 : i32
    %dma_start3A_198 = tpu.memref_slice %arg7[%dma_start3A_194, %dma_start3A_196, %dma_start3A_197] : memref<4x128x64xf32, #tpu.memory_space<vmem>> -> memref<1x128x64xf32, #tpu.memory_space<vmem>>
    %dma_start3A_199 = tpu.memref_squeeze %dma_start3A_198 : memref<1x128x64xf32, #tpu.memory_space<vmem>> -> memref<128x64xf32, #tpu.memory_space<vmem>>
    %dma_start3A_200 = arith.constant 0 : i32
    %dma_start3A_201 = tpu.memref_slice %arg6[%dma_start3A_193, %dma_start3A_200] : memref<4x128xi32, #tpu.memory_space<vmem>> -> memref<1x128xi32, #tpu.memory_space<vmem>>
    %dma_start3A_202 = tpu.memref_squeeze %dma_start3A_201 : memref<1x128xi32, #tpu.memory_space<vmem>> -> memref<128xi32, #tpu.memory_space<vmem>>
    %dma_start3A_203 = arith.constant 0 : i32
    %dma_start3A_204 = arith.constant 0 : i32
    %dma_start3A_205 = tpu.memref_slice %arg2[%dma_start3A_203, %dma_start3A_204] : memref<20000x64xf32, #tpu.memory_space<hbm>> -> memref<20000x64xf32, #tpu.memory_space<hbm>>
    %dma_start3A_206 = tpu.memref_slice %arg10[%dma_start3A_195] : memref<4x!tpu.dma_semaphore, #tpu.memory_space<semaphore_mem>> -> memref<1x!tpu.dma_semaphore, #tpu.memory_space<semaphore_mem>>
    %dma_start3A_207 = tpu.memref_squeeze %dma_start3A_206 : memref<1x!tpu.dma_semaphore, #tpu.memory_space<semaphore_mem>> -> memref<!tpu.dma_semaphore, #tpu.memory_space<semaphore_mem>>
    tpu.enqueue_indirect_dma source(%dma_start3A_205 : memref<20000x64xf32, #tpu.memory_space<hbm>>) target(%dma_start3A_199 : memref<128x64xf32, #tpu.memory_space<vmem>>) offsets(%dma_start3A_202 : memref<128xi32, #tpu.memory_space<vmem>>) semaphore(%dma_start3A_207 : memref<!tpu.dma_semaphore, #tpu.memory_space<semaphore_mem>>)
    %get3A_208 = arith.constant 0 : i32
    %get3A_209 = arith.constant 1 : i32
    %get3A_210 = arith.constant 0 : i32
    %get3A_211 = arith.index_cast %get3A_208 : i32 to index
    %get3A_212 = arith.index_cast %get3A_209 : i32 to index
    %get3A_213 = arith.index_cast %get3A_210 : i32 to index
    %get3A_214 = arith.constant 0 : index
    %get3A_215 = tpu.vector_load %arg5[%get3A_211, %get3A_212, %get3A_213, %get3A_214] {strides = array<i32>} : memref<2x24x2x128xi32, #tpu.memory_space<vmem>>, vector<1x1x1x16xi32>,
    %get3A_216 = vector.shape_cast %get3A_215 : vector<1x1x1x16xi32> to vector<16xi32>
    %add3A_217 = vector.broadcast %mul3A_58 : i32 to vector<16xi32>
    %add3A_218 = arith.addi %get3A_216, %add3A_217 : vector<16xi32>
    %swap3A_219 = arith.constant 1 : i32
    %swap3A_220 = arith.index_cast %swap3A_219 : i32 to index
    %swap3A_221 = arith.constant 0 : index
    %swap3A_222 = tpu.vector_load %arg6[%swap3A_220, %swap3A_221] {strides = array<i32>} : memref<4x128xi32, #tpu.memory_space<vmem>>, vector<1x16xi32>,
    %swap3A_223 = vector.shape_cast %swap3A_222 : vector<1x16xi32> to vector<16xi32>
    %swap3A_224 = vector.shape_cast %add3A_218 : vector<16xi32> to vector<1x16xi32>
    tpu.vector_store %arg6[%swap3A_220, %swap3A_221], %swap3A_224 {strides = array<i32>} : memref<4x128xi32, #tpu.memory_space<vmem>>, vector<1x16xi32>,
    %get3A_225 = arith.constant 0 : i32
    %get3A_226 = arith.constant 1 : i32
    %get3A_227 = arith.constant 0 : i32
    %get3A_228 = arith.index_cast %get3A_225 : i32 to index
    %get3A_229 = arith.index_cast %get3A_226 : i32 to index
    %get3A_230 = arith.index_cast %get3A_227 : i32 to index
    %get3A_231 = arith.constant 16 : index
    %get3A_232 = tpu.vector_load %arg5[%get3A_228, %get3A_229, %get3A_230, %get3A_231] {strides = array<i32>} : memref<2x24x2x128xi32, #tpu.memory_space<vmem>>, vector<1x1x1x16xi32>,
    %get3A_233 = vector.shape_cast %get3A_232 : vector<1x1x1x16xi32> to vector<16xi32>
    %add3A_234 = vector.broadcast %mul3A_58 : i32 to vector<16xi32>
    %add3A_235 = arith.addi %get3A_233, %add3A_234 : vector<16xi32>
    %swap3A_236 = arith.constant 1 : i32
    %swap3A_237 = arith.index_cast %swap3A_236 : i32 to index
    %swap3A_238 = arith.constant 16 : index
    %swap3A_239 = tpu.vector_load %arg6[%swap3A_237, %swap3A_238] {strides = array<i32>} : memref<4x128xi32, #tpu.memory_space<vmem>>, vector<1x16xi32>,
    %swap3A_240 = vector.shape_cast %swap3A_239 : vector<1x16xi32> to vector<16xi32>
    %swap3A_241 = vector.shape_cast %add3A_235 : vector<16xi32> to vector<1x16xi32>
    tpu.vector_store %arg6[%swap3A_237, %swap3A_238], %swap3A_241 {strides = array<i32>} : memref<4x128xi32, #tpu.memory_space<vmem>>, vector<1x16xi32>,
    %get3A_242 = arith.constant 0 : i32
    %get3A_243 = arith.constant 1 : i32
    %get3A_244 = arith.constant 0 : i32
    %get3A_245 = arith.index_cast %get3A_242 : i32 to index
    %get3A_246 = arith.index_cast %get3A_243 : i32 to index
    %get3A_247 = arith.index_cast %get3A_244 : i32 to index
    %get3A_248 = arith.constant 32 : index
    %get3A_249 = tpu.vector_load %arg5[%get3A_245, %get3A_246, %get3A_247, %get3A_248] {strides = array<i32>} : memref<2x24x2x128xi32, #tpu.memory_space<vmem>>, vector<1x1x1x16xi32>,
    %get3A_250 = vector.shape_cast %get3A_249 : vector<1x1x1x16xi32> to vector<16xi32>
    %add3A_251 = vector.broadcast %mul3A_58 : i32 to vector<16xi32>
    %add3A_252 = arith.addi %get3A_250, %add3A_251 : vector<16xi32>
    %swap3A_253 = arith.constant 1 : i32
    %swap3A_254 = arith.index_cast %swap3A_253 : i32 to index
    %swap3A_255 = arith.constant 32 : index
    %swap3A_256 = tpu.vector_load %arg6[%swap3A_254, %swap3A_255] {strides = array<i32>} : memref<4x128xi32, #tpu.memory_space<vmem>>, vector<1x16xi32>,
    %swap3A_257 = vector.shape_cast %swap3A_256 : vector<1x16xi32> to vector<16xi32>
    %swap3A_258 = vector.shape_cast %add3A_252 : vector<16xi32> to vector<1x16xi32>
    tpu.vector_store %arg6[%swap3A_254, %swap3A_255], %swap3A_258 {strides = array<i32>} : memref<4x128xi32, #tpu.memory_space<vmem>>, vector<1x16xi32>,
    %get3A_259 = arith.constant 0 : i32
    %get3A_260 = arith.constant 1 : i32
    %get3A_261 = arith.constant 0 : i32
    %get3A_262 = arith.index_cast %get3A_259 : i32 to index
    %get3A_263 = arith.index_cast %get3A_260 : i32 to index
    %get3A_264 = arith.index_cast %get3A_261 : i32 to index
    %get3A_265 = arith.constant 48 : index
    %get3A_266 = tpu.vector_load %arg5[%get3A_262, %get3A_263, %get3A_264, %get3A_265] {strides = array<i32>} : memref<2x24x2x128xi32, #tpu.memory_space<vmem>>, vector<1x1x1x16xi32>,
    %get3A_267 = vector.shape_cast %get3A_266 : vector<1x1x1x16xi32> to vector<16xi32>
    %add3A_268 = vector.broadcast %mul3A_58 : i32 to vector<16xi32>
    %add3A_269 = arith.addi %get3A_267, %add3A_268 : vector<16xi32>
    %swap3A_270 = arith.constant 1 : i32
    %swap3A_271 = arith.index_cast %swap3A_270 : i32 to index
    %swap3A_272 = arith.constant 48 : index
    %swap3A_273 = tpu.vector_load %arg6[%swap3A_271, %swap3A_272] {strides = array<i32>} : memref<4x128xi32, #tpu.memory_space<vmem>>, vector<1x16xi32>,
    %swap3A_274 = vector.shape_cast %swap3A_273 : vector<1x16xi32> to vector<16xi32>
    %swap3A_275 = vector.shape_cast %add3A_269 : vector<16xi32> to vector<1x16xi32>
    tpu.vector_store %arg6[%swap3A_271, %swap3A_272], %swap3A_275 {strides = array<i32>} : memref<4x128xi32, #tpu.memory_space<vmem>>, vector<1x16xi32>,
    %get3A_276 = arith.constant 0 : i32
    %get3A_277 = arith.constant 1 : i32
    %get3A_278 = arith.constant 0 : i32
    %get3A_279 = arith.index_cast %get3A_276 : i32 to index
    %get3A_280 = arith.index_cast %get3A_277 : i32 to index
    %get3A_281 = arith.index_cast %get3A_278 : i32 to index
    %get3A_282 = arith.constant 64 : index
    %get3A_283 = tpu.vector_load %arg5[%get3A_279, %get3A_280, %get3A_281, %get3A_282] {strides = array<i32>} : memref<2x24x2x128xi32, #tpu.memory_space<vmem>>, vector<1x1x1x16xi32>,
    %get3A_284 = vector.shape_cast %get3A_283 : vector<1x1x1x16xi32> to vector<16xi32>
    %add3A_285 = vector.broadcast %mul3A_58 : i32 to vector<16xi32>
    %add3A_286 = arith.addi %get3A_284, %add3A_285 : vector<16xi32>
    %swap3A_287 = arith.constant 1 : i32
    %swap3A_288 = arith.index_cast %swap3A_287 : i32 to index
    %swap3A_289 = arith.constant 64 : index
    %swap3A_290 = tpu.vector_load %arg6[%swap3A_288, %swap3A_289] {strides = array<i32>} : memref<4x128xi32, #tpu.memory_space<vmem>>, vector<1x16xi32>,
    %swap3A_291 = vector.shape_cast %swap3A_290 : vector<1x16xi32> to vector<16xi32>
    %swap3A_292 = vector.shape_cast %add3A_286 : vector<16xi32> to vector<1x16xi32>
    tpu.vector_store %arg6[%swap3A_288, %swap3A_289], %swap3A_292 {strides = array<i32>} : memref<4x128xi32, #tpu.memory_space<vmem>>, vector<1x16xi32>,
    %get3A_293 = arith.constant 0 : i32
    %get3A_294 = arith.constant 1 : i32
    %get3A_295 = arith.constant 0 : i32
    %get3A_296 = arith.index_cast %get3A_293 : i32 to index
    %get3A_297 = arith.index_cast %get3A_294 : i32 to index
    %get3A_298 = arith.index_cast %get3A_295 : i32 to index
    %get3A_299 = arith.constant 80 : index
    %get3A_300 = tpu.vector_load %arg5[%get3A_296, %get3A_297, %get3A_298, %get3A_299] {strides = array<i32>} : memref<2x24x2x128xi32, #tpu.memory_space<vmem>>, vector<1x1x1x16xi32>,
    %get3A_301 = vector.shape_cast %get3A_300 : vector<1x1x1x16xi32> to vector<16xi32>
    %add3A_302 = vector.broadcast %mul3A_58 : i32 to vector<16xi32>
    %add3A_303 = arith.addi %get3A_301, %add3A_302 : vector<16xi32>
    %swap3A_304 = arith.constant 1 : i32
    %swap3A_305 = arith.index_cast %swap3A_304 : i32 to index
    %swap3A_306 = arith.constant 80 : index
    %swap3A_307 = tpu.vector_load %arg6[%swap3A_305, %swap3A_306] {strides = array<i32>} : memref<4x128xi32, #tpu.memory_space<vmem>>, vector<1x16xi32>,
    %swap3A_308 = vector.shape_cast %swap3A_307 : vector<1x16xi32> to vector<16xi32>
    %swap3A_309 = vector.shape_cast %add3A_303 : vector<16xi32> to vector<1x16xi32>
    tpu.vector_store %arg6[%swap3A_305, %swap3A_306], %swap3A_309 {strides = array<i32>} : memref<4x128xi32, #tpu.memory_space<vmem>>, vector<1x16xi32>,
    %get3A_310 = arith.constant 0 : i32
    %get3A_311 = arith.constant 1 : i32
    %get3A_312 = arith.constant 0 : i32
    %get3A_313 = arith.index_cast %get3A_310 : i32 to index
    %get3A_314 = arith.index_cast %get3A_311 : i32 to index
    %get3A_315 = arith.index_cast %get3A_312 : i32 to index
    %get3A_316 = arith.constant 96 : index
    %get3A_317 = tpu.vector_load %arg5[%get3A_313, %get3A_314, %get3A_315, %get3A_316] {strides = array<i32>} : memref<2x24x2x128xi32, #tpu.memory_space<vmem>>, vector<1x1x1x16xi32>,
    %get3A_318 = vector.shape_cast %get3A_317 : vector<1x1x1x16xi32> to vector<16xi32>
    %add3A_319 = vector.broadcast %mul3A_58 : i32 to vector<16xi32>
    %add3A_320 = arith.addi %get3A_318, %add3A_319 : vector<16xi32>
    %swap3A_321 = arith.constant 1 : i32
    %swap3A_322 = arith.index_cast %swap3A_321 : i32 to index
    %swap3A_323 = arith.constant 96 : index
    %swap3A_324 = tpu.vector_load %arg6[%swap3A_322, %swap3A_323] {strides = array<i32>} : memref<4x128xi32, #tpu.memory_space<vmem>>, vector<1x16xi32>,
    %swap3A_325 = vector.shape_cast %swap3A_324 : vector<1x16xi32> to vector<16xi32>
    %swap3A_326 = vector.shape_cast %add3A_320 : vector<16xi32> to vector<1x16xi32>
    tpu.vector_store %arg6[%swap3A_322, %swap3A_323], %swap3A_326 {strides = array<i32>} : memref<4x128xi32, #tpu.memory_space<vmem>>, vector<1x16xi32>,
    %get3A_327 = arith.constant 0 : i32
    %get3A_328 = arith.constant 1 : i32
    %get3A_329 = arith.constant 0 : i32
    %get3A_330 = arith.index_cast %get3A_327 : i32 to index
    %get3A_331 = arith.index_cast %get3A_328 : i32 to index
    %get3A_332 = arith.index_cast %get3A_329 : i32 to index
    %get3A_333 = arith.constant 112 : index
    %get3A_334 = tpu.vector_load %arg5[%get3A_330, %get3A_331, %get3A_332, %get3A_333] {strides = array<i32>} : memref<2x24x2x128xi32, #tpu.memory_space<vmem>>, vector<1x1x1x16xi32>,
    %get3A_335 = vector.shape_cast %get3A_334 : vector<1x1x1x16xi32> to vector<16xi32>
    %add3A_336 = vector.broadcast %mul3A_58 : i32 to vector<16xi32>
    %add3A_337 = arith.addi %get3A_335, %add3A_336 : vector<16xi32>
    %swap3A_338 = arith.constant 1 : i32
    %swap3A_339 = arith.index_cast %swap3A_338 : i32 to index
    %swap3A_340 = arith.constant 112 : index
    %swap3A_341 = tpu.vector_load %arg6[%swap3A_339, %swap3A_340] {strides = array<i32>} : memref<4x128xi32, #tpu.memory_space<vmem>>, vector<1x16xi32>,
    %swap3A_342 = vector.shape_cast %swap3A_341 : vector<1x16xi32> to vector<16xi32>
    %swap3A_343 = vector.shape_cast %add3A_337 : vector<16xi32> to vector<1x16xi32>
    tpu.vector_store %arg6[%swap3A_339, %swap3A_340], %swap3A_343 {strides = array<i32>} : memref<4x128xi32, #tpu.memory_space<vmem>>, vector<1x16xi32>,
    %dma_start3A_344 = arith.constant 1 : i32
    %dma_start3A_345 = arith.constant 1 : i32
    %dma_start3A_346 = arith.constant 1 : i32
    %dma_start3A_347 = arith.constant 0 : i32
    %dma_start3A_348 = arith.constant 0 : i32
    %dma_start3A_349 = tpu.memref_slice %arg7[%dma_start3A_345, %dma_start3A_347, %dma_start3A_348] : memref<4x128x64xf32, #tpu.memory_space<vmem>> -> memref<1x128x64xf32, #tpu.memory_space<vmem>>
    %dma_start3A_350 = tpu.memref_squeeze %dma_start3A_349 : memref<1x128x64xf32, #tpu.memory_space<vmem>> -> memref<128x64xf32, #tpu.memory_space<vmem>>
    %dma_start3A_351 = arith.constant 0 : i32
    %dma_start3A_352 = tpu.memref_slice %arg6[%dma_start3A_344, %dma_start3A_351] : memref<4x128xi32, #tpu.memory_space<vmem>> -> memref<1x128xi32, #tpu.memory_space<vmem>>
    %dma_start3A_353 = tpu.memref_squeeze %dma_start3A_352 : memref<1x128xi32, #tpu.memory_space<vmem>> -> memref<128xi32, #tpu.memory_space<vmem>>
    %dma_start3A_354 = arith.constant 0 : i32
    %dma_start3A_355 = arith.constant 0 : i32
    %dma_start3A_356 = tpu.memref_slice %arg2[%dma_start3A_354, %dma_start3A_355] : memref<20000x64xf32, #tpu.memory_space<hbm>> -> memref<20000x64xf32, #tpu.memory_space<hbm>>
    %dma_start3A_357 = tpu.memref_slice %arg10[%dma_start3A_346] : memref<4x!tpu.dma_semaphore, #tpu.memory_space<semaphore_mem>> -> memref<1x!tpu.dma_semaphore, #tpu.memory_space<semaphore_mem>>
    %dma_start3A_358 = tpu.memref_squeeze %dma_start3A_357 : memref<1x!tpu.dma_semaphore, #tpu.memory_space<semaphore_mem>> -> memref<!tpu.dma_semaphore, #tpu.memory_space<semaphore_mem>>
    tpu.enqueue_indirect_dma source(%dma_start3A_356 : memref<20000x64xf32, #tpu.memory_space<hbm>>) target(%dma_start3A_350 : memref<128x64xf32, #tpu.memory_space<vmem>>) offsets(%dma_start3A_353 : memref<128xi32, #tpu.memory_space<vmem>>) semaphore(%dma_start3A_358 : memref<!tpu.dma_semaphore, #tpu.memory_space<semaphore_mem>>)
    %scan3A_359 = arith.constant 0 : i32
    %scan3A_360 = arith.constant 0 : i32
    %scan3A_361 = arith.constant 408 : i32
    %scan3A_362 = arith.addi %scan3A_360, %scan3A_361 : i32
    %scan3A_363 = arith.constant 1 : i32
    scf.for %scan3A_444 = %scan3A_360 to %scan3A_362 step %scan3A_363  : i32 {
      %add3A_445 = arith.constant 2 : i32
      %add3A_446 = arith.addi %scan3A_444, %add3A_445 : i32
      %lt3A = arith.constant 408 : i32
      %lt3A_447 = arith.cmpi slt, %add3A_446, %lt3A : i32
      %convert_element_type3A = arith.extui %lt3A_447 : i1 to i32
      %cond3A = arith.constant 0 : i32
      %cond3A_448 = arith.cmpi ne, %convert_element_type3A, %cond3A : i32
      scf.if %cond3A_448 {
        %and3A_530 = arith.constant 3 : i32
        %and3A_531 = arith.andi %add3A_446, %and3A_530 : i32
        %ge3A = arith.constant 2 : i32
        %ge3A_532 = arith.cmpi sge, %scan3A_444, %ge3A : i32
        %convert_element_type3A_533 = arith.extui %ge3A_532 : i1 to i32
        %cond3A_534 = arith.constant 0 : i32
        %cond3A_535 = arith.cmpi ne, %convert_element_type3A_533, %cond3A_534 : i32
        scf.if %cond3A_535 {
          %sub3A_723 = arith.constant 2 : i32
          %sub3A_724 = arith.subi %scan3A_444, %sub3A_723 : i32
          %jit3A_725 = arith.constant 24 : i32
          %div3A_726 = arith.divsi %sub3A_724, %jit3A_725 : i32
          %sign3A_727 = arith.constant 0 : i32
          %sign3A_728 = arith.cmpi sgt, %sub3A_724, %sign3A_727 : i32
          %sign3A_729 = arith.extui %sign3A_728 : i1 to i32
          %sign3A_730 = arith.constant 0 : i32
          %sign3A_731 = arith.cmpi slt, %sub3A_724, %sign3A_730 : i32
          %sign3A_732 = arith.extui %sign3A_731 : i1 to i32
          %sign3A_733 = arith.subi %sign3A_729, %sign3A_732 : i32
          %sign3A_734 = arith.constant 0 : i32
          %sign3A_735 = arith.cmpi sgt, %jit3A_725, %sign3A_734 : i32
          %sign3A_736 = arith.extui %sign3A_735 : i1 to i32
          %sign3A_737 = arith.constant 0 : i32
          %sign3A_738 = arith.cmpi slt, %jit3A_725, %sign3A_737 : i32
          %sign3A_739 = arith.extui %sign3A_738 : i1 to i32
          %sign3A_740 = arith.subi %sign3A_736, %sign3A_739 : i32
          %ne3A_741 = arith.cmpi ne, %sign3A_733, %sign3A_740 : i32
          %rem3A_742 = arith.remsi %sub3A_724, %jit3A_725 : i32
          %ne3A_743 = arith.constant 0 : i32
          %ne3A_744 = arith.cmpi ne, %rem3A_742, %ne3A_743 : i32
          %and3A_745 = arith.andi %ne3A_741, %ne3A_744 : i1
          %sub3A_746 = arith.constant 1 : i32
          %sub3A_747 = arith.subi %div3A_726, %sub3A_746 : i32
          %select_n3A_748 = arith.select %and3A_745, %sub3A_747, %div3A_726 : i32
          %and3A_749 = arith.constant 1 : i32
          %and3A_750 = arith.andi %select_n3A_748, %and3A_749 : i32
          %jit3A_751 = arith.constant 24 : i32
          %eq3A_752 = arith.constant 0 : i32
          %eq3A_753 = arith.cmpi eq, %jit3A_751, %eq3A_752 : i32
          %jit3A_754 = arith.constant 1 : i32
          %select_n3A_755 = arith.select %eq3A_753, %jit3A_754, %jit3A_751 : i32
          %rem3A_756 = arith.remsi %sub3A_724, %select_n3A_755 : i32
          %ne3A_757 = arith.constant 0 : i32
          %ne3A_758 = arith.cmpi ne, %rem3A_756, %ne3A_757 : i32
          %lt3A_759 = arith.constant 0 : i32
          %lt3A_760 = arith.cmpi slt, %rem3A_756, %lt3A_759 : i32
          %lt3A_761 = arith.constant 0 : i32
          %lt3A_762 = arith.cmpi slt, %select_n3A_755, %lt3A_761 : i32
          %ne3A_763 = arith.xori %lt3A_760, %lt3A_762 : i1
          %and3A_764 = arith.andi %ne3A_763, %ne3A_758 : i1
          %add3A_765 = arith.addi %rem3A_756, %select_n3A_755 : i32
          %select_n3A_766 = arith.select %and3A_764, %add3A_765, %rem3A_756 : i32
          %dma_wait3A_767 = arith.constant 1 : i32
          %dma_wait3A_768 = arith.constant 0 : i32
          %dma_wait3A_769 = arith.constant 0 : i32
          %dma_wait3A_770 = tpu.memref_slice %arg7[%and3A_531, %dma_wait3A_768, %dma_wait3A_769] : memref<4x128x64xf32, #tpu.memory_space<vmem>> -> memref<1x128x64xf32, #tpu.memory_space<vmem>>
          %dma_wait3A_771 = tpu.memref_squeeze %dma_wait3A_770 : memref<1x128x64xf32, #tpu.memory_space<vmem>> -> memref<128x64xf32, #tpu.memory_space<vmem>>
          %dma_wait3A_772 = arith.constant 0 : i32
          %dma_wait3A_773 = tpu.memref_slice %arg5[%and3A_750, %select_n3A_766, %dma_wait3A_767, %dma_wait3A_772] : memref<2x24x2x128xi32, #tpu.memory_space<vmem>> -> memref<1x1x1x128xi32, #tpu.memory_space<vmem>>
          %dma_wait3A_774 = tpu.memref_squeeze %dma_wait3A_773 : memref<1x1x1x128xi32, #tpu.memory_space<vmem>> -> memref<128xi32, #tpu.memory_space<vmem>>
          %dma_wait3A_775 = arith.constant 0 : i32
          %dma_wait3A_776 = arith.constant 0 : i32
          %dma_wait3A_777 = tpu.memref_slice %arg8[%dma_wait3A_775, %dma_wait3A_776] : memref<20480x64xf32, #tpu.memory_space<vmem_shared>> -> memref<20480x64xf32, #tpu.memory_space<vmem_shared>>
          %dma_wait3A_778 = tpu.memref_slice %arg11[%and3A_531] : memref<4x!tpu.dma_semaphore, #tpu.memory_space<semaphore_mem>> -> memref<1x!tpu.dma_semaphore, #tpu.memory_space<semaphore_mem>>
          %dma_wait3A_779 = tpu.memref_squeeze %dma_wait3A_778 : memref<1x!tpu.dma_semaphore, #tpu.memory_space<semaphore_mem>> -> memref<!tpu.dma_semaphore, #tpu.memory_space<semaphore_mem>>
          tpu.wait_indirect_dma semaphore(%dma_wait3A_779 : memref<!tpu.dma_semaphore, #tpu.memory_space<semaphore_mem>>) src(%dma_wait3A_771 : memref<128x64xf32, #tpu.memory_space<vmem>>) dst(%dma_wait3A_777 : memref<20480x64xf32, #tpu.memory_space<vmem_shared>>)
        } else {
        }
        %jit3A_536 = arith.constant 24 : i32
        %eq3A_537 = arith.constant 0 : i32
        %eq3A_538 = arith.cmpi eq, %jit3A_536, %eq3A_537 : i32
        %jit3A_539 = arith.constant 1 : i32
        %select_n3A_540 = arith.select %eq3A_538, %jit3A_539, %jit3A_536 : i32
        %rem3A_541 = arith.remsi %add3A_446, %select_n3A_540 : i32
        %ne3A_542 = arith.constant 0 : i32
        %ne3A_543 = arith.cmpi ne, %rem3A_541, %ne3A_542 : i32
        %lt3A_544 = arith.constant 0 : i32
        %lt3A_545 = arith.cmpi slt, %rem3A_541, %lt3A_544 : i32
        %lt3A_546 = arith.constant 0 : i32
        %lt3A_547 = arith.cmpi slt, %select_n3A_540, %lt3A_546 : i32
        %ne3A_548 = arith.xori %lt3A_545, %lt3A_547 : i1
        %and3A_549 = arith.andi %ne3A_548, %ne3A_543 : i1
        %add3A_550 = arith.addi %rem3A_541, %select_n3A_540 : i32
        %select_n3A_551 = arith.select %and3A_549, %add3A_550, %rem3A_541 : i32
        %eq3A_552 = arith.constant 0 : i32
        %eq3A_553 = arith.cmpi eq, %select_n3A_551, %eq3A_552 : i32
        %convert_element_type3A_554 = arith.extui %eq3A_553 : i1 to i32
        %cond3A_555 = arith.constant 0 : i32
        %cond3A_556 = arith.cmpi ne, %convert_element_type3A_554, %cond3A_555 : i32
        scf.if %cond3A_556 {
          %jit3A_723 = arith.constant 24 : i32
          %div3A_724 = arith.divsi %add3A_446, %jit3A_723 : i32
          %sign3A_725 = arith.constant 0 : i32
          %sign3A_726 = arith.cmpi sgt, %add3A_446, %sign3A_725 : i32
          %sign3A_727 = arith.extui %sign3A_726 : i1 to i32
          %sign3A_728 = arith.constant 0 : i32
          %sign3A_729 = arith.cmpi slt, %add3A_446, %sign3A_728 : i32
          %sign3A_730 = arith.extui %sign3A_729 : i1 to i32
          %sign3A_731 = arith.subi %sign3A_727, %sign3A_730 : i32
          %sign3A_732 = arith.constant 0 : i32
          %sign3A_733 = arith.cmpi sgt, %jit3A_723, %sign3A_732 : i32
          %sign3A_734 = arith.extui %sign3A_733 : i1 to i32
          %sign3A_735 = arith.constant 0 : i32
          %sign3A_736 = arith.cmpi slt, %jit3A_723, %sign3A_735 : i32
          %sign3A_737 = arith.extui %sign3A_736 : i1 to i32
          %sign3A_738 = arith.subi %sign3A_734, %sign3A_737 : i32
          %ne3A_739 = arith.cmpi ne, %sign3A_731, %sign3A_738 : i32
          %rem3A_740 = arith.remsi %add3A_446, %jit3A_723 : i32
          %ne3A_741 = arith.constant 0 : i32
          %ne3A_742 = arith.cmpi ne, %rem3A_740, %ne3A_741 : i32
          %and3A_743 = arith.andi %ne3A_739, %ne3A_742 : i1
          %sub3A_744 = arith.constant 1 : i32
          %sub3A_745 = arith.subi %div3A_724, %sub3A_744 : i32
          %select_n3A_746 = arith.select %and3A_743, %sub3A_745, %div3A_724 : i32
          %and3A_747 = arith.constant 1 : i32
          %and3A_748 = arith.andi %select_n3A_746, %and3A_747 : i32
          %mul3A_749 = arith.constant 408 : i32
          %mul3A_750 = arith.muli %arg1, %mul3A_749 : i32
          %mul3A_751 = arith.constant 24 : i32
          %mul3A_752 = arith.muli %select_n3A_746, %mul3A_751 : i32
          %add3A_753 = arith.addi %mul3A_750, %mul3A_752 : i32
          %dma_wait3A_754 = arith.constant 0 : i32
          %dma_wait3A_755 = arith.constant 0 : i32
          %dma_wait3A_756 = arith.constant 0 : i32
          %dma_wait3A_757 = tpu.memref_slice %arg5[%and3A_748, %dma_wait3A_754, %dma_wait3A_755, %dma_wait3A_756] : memref<2x24x2x128xi32, #tpu.memory_space<vmem>> -> memref<1x24x2x128xi32, #tpu.memory_space<vmem>>
          %dma_wait3A_758 = tpu.memref_squeeze %dma_wait3A_757 : memref<1x24x2x128xi32, #tpu.memory_space<vmem>> -> memref<24x2x128xi32, #tpu.memory_space<vmem>>
          %dma_wait3A_759 = arith.constant 0 : i32
          %dma_wait3A_760 = arith.constant 0 : i32
          %dma_wait3A_761 = tpu.memref_slice %arg3[%add3A_753, %dma_wait3A_759, %dma_wait3A_760] : memref<6528x2x128xi32, #tpu.memory_space<hbm>> -> memref<24x2x128xi32, #tpu.memory_space<hbm>>
          %dma_wait3A_762 = tpu.memref_slice %arg9[%and3A_748] : memref<2x!tpu.dma_semaphore, #tpu.memory_space<semaphore_mem>> -> memref<1x!tpu.dma_semaphore, #tpu.memory_space<semaphore_mem>>
          %dma_wait3A_763 = tpu.memref_squeeze %dma_wait3A_762 : memref<1x!tpu.dma_semaphore, #tpu.memory_space<semaphore_mem>> -> memref<!tpu.dma_semaphore, #tpu.memory_space<semaphore_mem>>
          %dma_wait3A_764 = arith.constant 0 : i32
          %dma_wait3A_765 = arith.constant 0 : i32
          %dma_wait3A_766 = arith.constant 0 : i32
          %dma_wait3A_767 = tpu.memref_slice %arg5[%and3A_748, %dma_wait3A_764, %dma_wait3A_765, %dma_wait3A_766] : memref<2x24x2x128xi32, #tpu.memory_space<vmem>> -> memref<1x24x2x128xi32, #tpu.memory_space<vmem>>
          %dma_wait3A_768 = tpu.memref_squeeze %dma_wait3A_767 : memref<1x24x2x128xi32, #tpu.memory_space<vmem>> -> memref<24x2x128xi32, #tpu.memory_space<vmem>>
          %dma_wait3A_769 = arith.constant 0 : i32
          %dma_wait3A_770 = arith.constant 0 : i32
          %dma_wait3A_771 = tpu.memref_slice %arg3[%add3A_753, %dma_wait3A_769, %dma_wait3A_770] : memref<6528x2x128xi32, #tpu.memory_space<hbm>> -> memref<24x2x128xi32, #tpu.memory_space<hbm>>
          tpu.wait_dma2 semaphore(%dma_wait3A_763 : memref<!tpu.dma_semaphore, #tpu.memory_space<semaphore_mem>>) src(%dma_wait3A_771 : memref<24x2x128xi32, #tpu.memory_space<hbm>>) dst(%dma_wait3A_768 : memref<24x2x128xi32, #tpu.memory_space<vmem>>)
        } else {
        }
        %jit3A_557 = arith.constant 24 : i32
        %div3A_558 = arith.divsi %add3A_446, %jit3A_557 : i32
        %sign3A_559 = arith.constant 0 : i32
        %sign3A_560 = arith.cmpi sgt, %add3A_446, %sign3A_559 : i32
        %sign3A_561 = arith.extui %sign3A_560 : i1 to i32
        %sign3A_562 = arith.constant 0 : i32
        %sign3A_563 = arith.cmpi slt, %add3A_446, %sign3A_562 : i32
        %sign3A_564 = arith.extui %sign3A_563 : i1 to i32
        %sign3A_565 = arith.subi %sign3A_561, %sign3A_564 : i32
        %sign3A_566 = arith.constant 0 : i32
        %sign3A_567 = arith.cmpi sgt, %jit3A_557, %sign3A_566 : i32
        %sign3A_568 = arith.extui %sign3A_567 : i1 to i32
        %sign3A_569 = arith.constant 0 : i32
        %sign3A_570 = arith.cmpi slt, %jit3A_557, %sign3A_569 : i32
        %sign3A_571 = arith.extui %sign3A_570 : i1 to i32
        %sign3A_572 = arith.subi %sign3A_568, %sign3A_571 : i32
        %ne3A_573 = arith.cmpi ne, %sign3A_565, %sign3A_572 : i32
        %rem3A_574 = arith.remsi %add3A_446, %jit3A_557 : i32
        %ne3A_575 = arith.constant 0 : i32
        %ne3A_576 = arith.cmpi ne, %rem3A_574, %ne3A_575 : i32
        %and3A_577 = arith.andi %ne3A_573, %ne3A_576 : i1
        %sub3A_578 = arith.constant 1 : i32
        %sub3A_579 = arith.subi %div3A_558, %sub3A_578 : i32
        %select_n3A_580 = arith.select %and3A_577, %sub3A_579, %div3A_558 : i32
        %and3A_581 = arith.constant 1 : i32
        %and3A_582 = arith.andi %select_n3A_580, %and3A_581 : i32
        %jit3A_583 = arith.constant 24 : i32
        %eq3A_584 = arith.constant 0 : i32
        %eq3A_585 = arith.cmpi eq, %jit3A_583, %eq3A_584 : i32
        %jit3A_586 = arith.constant 1 : i32
        %select_n3A_587 = arith.select %eq3A_585, %jit3A_586, %jit3A_583 : i32
        %rem3A_588 = arith.remsi %add3A_446, %select_n3A_587 : i32
        %ne3A_589 = arith.constant 0 : i32
        %ne3A_590 = arith.cmpi ne, %rem3A_588, %ne3A_589 : i32
        %lt3A_591 = arith.constant 0 : i32
        %lt3A_592 = arith.cmpi slt, %rem3A_588, %lt3A_591 : i32
        %lt3A_593 = arith.constant 0 : i32
        %lt3A_594 = arith.cmpi slt, %select_n3A_587, %lt3A_593 : i32
        %ne3A_595 = arith.xori %lt3A_592, %lt3A_594 : i1
        %and3A_596 = arith.andi %ne3A_595, %ne3A_590 : i1
        %add3A_597 = arith.addi %rem3A_588, %select_n3A_587 : i32
        %select_n3A_598 = arith.select %and3A_596, %add3A_597, %rem3A_588 : i32
        %get3A_599 = arith.constant 0 : i32
        %get3A_600 = arith.index_cast %and3A_582 : i32 to index
        %get3A_601 = arith.index_cast %select_n3A_598 : i32 to index
        %get3A_602 = arith.index_cast %get3A_599 : i32 to index
        %get3A_603 = arith.constant 0 : index
        %get3A_604 = tpu.vector_load %arg5[%get3A_600, %get3A_601, %get3A_602, %get3A_603] {strides = array<i32>} : memref<2x24x2x128xi32, #tpu.memory_space<vmem>>, vector<1x1x1x16xi32>,
        %get3A_605 = vector.shape_cast %get3A_604 : vector<1x1x1x16xi32> to vector<16xi32>
        %add3A_606 = vector.broadcast %mul3A_58 : i32 to vector<16xi32>
        %add3A_607 = arith.addi %get3A_605, %add3A_606 : vector<16xi32>
        %swap3A_608 = arith.index_cast %and3A_531 : i32 to index
        %swap3A_609 = arith.constant 0 : index
        %swap3A_610 = tpu.vector_load %arg6[%swap3A_608, %swap3A_609] {strides = array<i32>} : memref<4x128xi32, #tpu.memory_space<vmem>>, vector<1x16xi32>,
        %swap3A_611 = vector.shape_cast %swap3A_610 : vector<1x16xi32> to vector<16xi32>
        %swap3A_612 = vector.shape_cast %add3A_607 : vector<16xi32> to vector<1x16xi32>
        tpu.vector_store %arg6[%swap3A_608, %swap3A_609], %swap3A_612 {strides = array<i32>} : memref<4x128xi32, #tpu.memory_space<vmem>>, vector<1x16xi32>,
        %get3A_613 = arith.constant 0 : i32
        %get3A_614 = arith.index_cast %and3A_582 : i32 to index
        %get3A_615 = arith.index_cast %select_n3A_598 : i32 to index
        %get3A_616 = arith.index_cast %get3A_613 : i32 to index
        %get3A_617 = arith.constant 16 : index
        %get3A_618 = tpu.vector_load %arg5[%get3A_614, %get3A_615, %get3A_616, %get3A_617] {strides = array<i32>} : memref<2x24x2x128xi32, #tpu.memory_space<vmem>>, vector<1x1x1x16xi32>,
        %get3A_619 = vector.shape_cast %get3A_618 : vector<1x1x1x16xi32> to vector<16xi32>
        %add3A_620 = vector.broadcast %mul3A_58 : i32 to vector<16xi32>
        %add3A_621 = arith.addi %get3A_619, %add3A_620 : vector<16xi32>
        %swap3A_622 = arith.index_cast %and3A_531 : i32 to index
        %swap3A_623 = arith.constant 16 : index
        %swap3A_624 = tpu.vector_load %arg6[%swap3A_622, %swap3A_623] {strides = array<i32>} : memref<4x128xi32, #tpu.memory_space<vmem>>, vector<1x16xi32>,
        %swap3A_625 = vector.shape_cast %swap3A_624 : vector<1x16xi32> to vector<16xi32>
        %swap3A_626 = vector.shape_cast %add3A_621 : vector<16xi32> to vector<1x16xi32>
        tpu.vector_store %arg6[%swap3A_622, %swap3A_623], %swap3A_626 {strides = array<i32>} : memref<4x128xi32, #tpu.memory_space<vmem>>, vector<1x16xi32>,
        %get3A_627 = arith.constant 0 : i32
        %get3A_628 = arith.index_cast %and3A_582 : i32 to index
        %get3A_629 = arith.index_cast %select_n3A_598 : i32 to index
        %get3A_630 = arith.index_cast %get3A_627 : i32 to index
        %get3A_631 = arith.constant 32 : index
        %get3A_632 = tpu.vector_load %arg5[%get3A_628, %get3A_629, %get3A_630, %get3A_631] {strides = array<i32>} : memref<2x24x2x128xi32, #tpu.memory_space<vmem>>, vector<1x1x1x16xi32>,
        %get3A_633 = vector.shape_cast %get3A_632 : vector<1x1x1x16xi32> to vector<16xi32>
        %add3A_634 = vector.broadcast %mul3A_58 : i32 to vector<16xi32>
        %add3A_635 = arith.addi %get3A_633, %add3A_634 : vector<16xi32>
        %swap3A_636 = arith.index_cast %and3A_531 : i32 to index
        %swap3A_637 = arith.constant 32 : index
        %swap3A_638 = tpu.vector_load %arg6[%swap3A_636, %swap3A_637] {strides = array<i32>} : memref<4x128xi32, #tpu.memory_space<vmem>>, vector<1x16xi32>,
        %swap3A_639 = vector.shape_cast %swap3A_638 : vector<1x16xi32> to vector<16xi32>
        %swap3A_640 = vector.shape_cast %add3A_635 : vector<16xi32> to vector<1x16xi32>
        tpu.vector_store %arg6[%swap3A_636, %swap3A_637], %swap3A_640 {strides = array<i32>} : memref<4x128xi32, #tpu.memory_space<vmem>>, vector<1x16xi32>,
        %get3A_641 = arith.constant 0 : i32
        %get3A_642 = arith.index_cast %and3A_582 : i32 to index
        %get3A_643 = arith.index_cast %select_n3A_598 : i32 to index
        %get3A_644 = arith.index_cast %get3A_641 : i32 to index
        %get3A_645 = arith.constant 48 : index
        %get3A_646 = tpu.vector_load %arg5[%get3A_642, %get3A_643, %get3A_644, %get3A_645] {strides = array<i32>} : memref<2x24x2x128xi32, #tpu.memory_space<vmem>>, vector<1x1x1x16xi32>,
        %get3A_647 = vector.shape_cast %get3A_646 : vector<1x1x1x16xi32> to vector<16xi32>
        %add3A_648 = vector.broadcast %mul3A_58 : i32 to vector<16xi32>
        %add3A_649 = arith.addi %get3A_647, %add3A_648 : vector<16xi32>
        %swap3A_650 = arith.index_cast %and3A_531 : i32 to index
        %swap3A_651 = arith.constant 48 : index
        %swap3A_652 = tpu.vector_load %arg6[%swap3A_650, %swap3A_651] {strides = array<i32>} : memref<4x128xi32, #tpu.memory_space<vmem>>, vector<1x16xi32>,
        %swap3A_653 = vector.shape_cast %swap3A_652 : vector<1x16xi32> to vector<16xi32>
        %swap3A_654 = vector.shape_cast %add3A_649 : vector<16xi32> to vector<1x16xi32>
        tpu.vector_store %arg6[%swap3A_650, %swap3A_651], %swap3A_654 {strides = array<i32>} : memref<4x128xi32, #tpu.memory_space<vmem>>, vector<1x16xi32>,
        %get3A_655 = arith.constant 0 : i32
        %get3A_656 = arith.index_cast %and3A_582 : i32 to index
        %get3A_657 = arith.index_cast %select_n3A_598 : i32 to index
        %get3A_658 = arith.index_cast %get3A_655 : i32 to index
        %get3A_659 = arith.constant 64 : index
        %get3A_660 = tpu.vector_load %arg5[%get3A_656, %get3A_657, %get3A_658, %get3A_659] {strides = array<i32>} : memref<2x24x2x128xi32, #tpu.memory_space<vmem>>, vector<1x1x1x16xi32>,
        %get3A_661 = vector.shape_cast %get3A_660 : vector<1x1x1x16xi32> to vector<16xi32>
        %add3A_662 = vector.broadcast %mul3A_58 : i32 to vector<16xi32>
        %add3A_663 = arith.addi %get3A_661, %add3A_662 : vector<16xi32>
        %swap3A_664 = arith.index_cast %and3A_531 : i32 to index
        %swap3A_665 = arith.constant 64 : index
        %swap3A_666 = tpu.vector_load %arg6[%swap3A_664, %swap3A_665] {strides = array<i32>} : memref<4x128xi32, #tpu.memory_space<vmem>>, vector<1x16xi32>,
        %swap3A_667 = vector.shape_cast %swap3A_666 : vector<1x16xi32> to vector<16xi32>
        %swap3A_668 = vector.shape_cast %add3A_663 : vector<16xi32> to vector<1x16xi32>
        tpu.vector_store %arg6[%swap3A_664, %swap3A_665], %swap3A_668 {strides = array<i32>} : memref<4x128xi32, #tpu.memory_space<vmem>>, vector<1x16xi32>,
        %get3A_669 = arith.constant 0 : i32
        %get3A_670 = arith.index_cast %and3A_582 : i32 to index
        %get3A_671 = arith.index_cast %select_n3A_598 : i32 to index
        %get3A_672 = arith.index_cast %get3A_669 : i32 to index
        %get3A_673 = arith.constant 80 : index
        %get3A_674 = tpu.vector_load %arg5[%get3A_670, %get3A_671, %get3A_672, %get3A_673] {strides = array<i32>} : memref<2x24x2x128xi32, #tpu.memory_space<vmem>>, vector<1x1x1x16xi32>,
        %get3A_675 = vector.shape_cast %get3A_674 : vector<1x1x1x16xi32> to vector<16xi32>
        %add3A_676 = vector.broadcast %mul3A_58 : i32 to vector<16xi32>
        %add3A_677 = arith.addi %get3A_675, %add3A_676 : vector<16xi32>
        %swap3A_678 = arith.index_cast %and3A_531 : i32 to index
        %swap3A_679 = arith.constant 80 : index
        %swap3A_680 = tpu.vector_load %arg6[%swap3A_678, %swap3A_679] {strides = array<i32>} : memref<4x128xi32, #tpu.memory_space<vmem>>, vector<1x16xi32>,
        %swap3A_681 = vector.shape_cast %swap3A_680 : vector<1x16xi32> to vector<16xi32>
        %swap3A_682 = vector.shape_cast %add3A_677 : vector<16xi32> to vector<1x16xi32>
        tpu.vector_store %arg6[%swap3A_678, %swap3A_679], %swap3A_682 {strides = array<i32>} : memref<4x128xi32, #tpu.memory_space<vmem>>, vector<1x16xi32>,
        %get3A_683 = arith.constant 0 : i32
        %get3A_684 = arith.index_cast %and3A_582 : i32 to index
        %get3A_685 = arith.index_cast %select_n3A_598 : i32 to index
        %get3A_686 = arith.index_cast %get3A_683 : i32 to index
        %get3A_687 = arith.constant 96 : index
        %get3A_688 = tpu.vector_load %arg5[%get3A_684, %get3A_685, %get3A_686, %get3A_687] {strides = array<i32>} : memref<2x24x2x128xi32, #tpu.memory_space<vmem>>, vector<1x1x1x16xi32>,
        %get3A_689 = vector.shape_cast %get3A_688 : vector<1x1x1x16xi32> to vector<16xi32>
        %add3A_690 = vector.broadcast %mul3A_58 : i32 to vector<16xi32>
        %add3A_691 = arith.addi %get3A_689, %add3A_690 : vector<16xi32>
        %swap3A_692 = arith.index_cast %and3A_531 : i32 to index
        %swap3A_693 = arith.constant 96 : index
        %swap3A_694 = tpu.vector_load %arg6[%swap3A_692, %swap3A_693] {strides = array<i32>} : memref<4x128xi32, #tpu.memory_space<vmem>>, vector<1x16xi32>,
        %swap3A_695 = vector.shape_cast %swap3A_694 : vector<1x16xi32> to vector<16xi32>
        %swap3A_696 = vector.shape_cast %add3A_691 : vector<16xi32> to vector<1x16xi32>
        tpu.vector_store %arg6[%swap3A_692, %swap3A_693], %swap3A_696 {strides = array<i32>} : memref<4x128xi32, #tpu.memory_space<vmem>>, vector<1x16xi32>,
        %get3A_697 = arith.constant 0 : i32
        %get3A_698 = arith.index_cast %and3A_582 : i32 to index
        %get3A_699 = arith.index_cast %select_n3A_598 : i32 to index
        %get3A_700 = arith.index_cast %get3A_697 : i32 to index
        %get3A_701 = arith.constant 112 : index
        %get3A_702 = tpu.vector_load %arg5[%get3A_698, %get3A_699, %get3A_700, %get3A_701] {strides = array<i32>} : memref<2x24x2x128xi32, #tpu.memory_space<vmem>>, vector<1x1x1x16xi32>,
        %get3A_703 = vector.shape_cast %get3A_702 : vector<1x1x1x16xi32> to vector<16xi32>
        %add3A_704 = vector.broadcast %mul3A_58 : i32 to vector<16xi32>
        %add3A_705 = arith.addi %get3A_703, %add3A_704 : vector<16xi32>
        %swap3A_706 = arith.index_cast %and3A_531 : i32 to index
        %swap3A_707 = arith.constant 112 : index
        %swap3A_708 = tpu.vector_load %arg6[%swap3A_706, %swap3A_707] {strides = array<i32>} : memref<4x128xi32, #tpu.memory_space<vmem>>, vector<1x16xi32>,
        %swap3A_709 = vector.shape_cast %swap3A_708 : vector<1x16xi32> to vector<16xi32>
        %swap3A_710 = vector.shape_cast %add3A_705 : vector<16xi32> to vector<1x16xi32>
        tpu.vector_store %arg6[%swap3A_706, %swap3A_707], %swap3A_710 {strides = array<i32>} : memref<4x128xi32, #tpu.memory_space<vmem>>, vector<1x16xi32>,
        %dma_start3A_711 = arith.constant 0 : i32
        %dma_start3A_712 = arith.constant 0 : i32
        %dma_start3A_713 = tpu.memref_slice %arg7[%and3A_531, %dma_start3A_711, %dma_start3A_712] : memref<4x128x64xf32, #tpu.memory_space<vmem>> -> memref<1x128x64xf32, #tpu.memory_space<vmem>>
        %dma_start3A_714 = tpu.memref_squeeze %dma_start3A_713 : memref<1x128x64xf32, #tpu.memory_space<vmem>> -> memref<128x64xf32, #tpu.memory_space<vmem>>
        %dma_start3A_715 = arith.constant 0 : i32
        %dma_start3A_716 = tpu.memref_slice %arg6[%and3A_531, %dma_start3A_715] : memref<4x128xi32, #tpu.memory_space<vmem>> -> memref<1x128xi32, #tpu.memory_space<vmem>>
        %dma_start3A_717 = tpu.memref_squeeze %dma_start3A_716 : memref<1x128xi32, #tpu.memory_space<vmem>> -> memref<128xi32, #tpu.memory_space<vmem>>
        %dma_start3A_718 = arith.constant 0 : i32
        %dma_start3A_719 = arith.constant 0 : i32
        %dma_start3A_720 = tpu.memref_slice %arg2[%dma_start3A_718, %dma_start3A_719] : memref<20000x64xf32, #tpu.memory_space<hbm>> -> memref<20000x64xf32, #tpu.memory_space<hbm>>
        %dma_start3A_721 = tpu.memref_slice %arg10[%and3A_531] : memref<4x!tpu.dma_semaphore, #tpu.memory_space<semaphore_mem>> -> memref<1x!tpu.dma_semaphore, #tpu.memory_space<semaphore_mem>>
        %dma_start3A_722 = tpu.memref_squeeze %dma_start3A_721 : memref<1x!tpu.dma_semaphore, #tpu.memory_space<semaphore_mem>> -> memref<!tpu.dma_semaphore, #tpu.memory_space<semaphore_mem>>
        tpu.enqueue_indirect_dma source(%dma_start3A_720 : memref<20000x64xf32, #tpu.memory_space<hbm>>) target(%dma_start3A_714 : memref<128x64xf32, #tpu.memory_space<vmem>>) offsets(%dma_start3A_717 : memref<128xi32, #tpu.memory_space<vmem>>) semaphore(%dma_start3A_722 : memref<!tpu.dma_semaphore, #tpu.memory_space<semaphore_mem>>)
      } else {
      }
      %jit3A = arith.constant 24 : i32
      %eq3A = arith.constant 0 : i32
      %eq3A_449 = arith.cmpi eq, %jit3A, %eq3A : i32
      %jit3A_450 = arith.constant 1 : i32
      %select_n3A = arith.select %eq3A_449, %jit3A_450, %jit3A : i32
      %rem3A = arith.remsi %scan3A_444, %select_n3A : i32
      %ne3A = arith.constant 0 : i32
      %ne3A_451 = arith.cmpi ne, %rem3A, %ne3A : i32
      %lt3A_452 = arith.constant 0 : i32
      %lt3A_453 = arith.cmpi slt, %rem3A, %lt3A_452 : i32
      %lt3A_454 = arith.constant 0 : i32
      %lt3A_455 = arith.cmpi slt, %select_n3A, %lt3A_454 : i32
      %ne3A_456 = arith.xori %lt3A_453, %lt3A_455 : i1
      %and3A = arith.andi %ne3A_456, %ne3A_451 : i1
      %add3A_457 = arith.addi %rem3A, %select_n3A : i32
      %select_n3A_458 = arith.select %and3A, %add3A_457, %rem3A : i32
      %eq3A_459 = arith.constant 4 : i32
      %eq3A_460 = arith.cmpi eq, %select_n3A_458, %eq3A_459 : i32
      %convert_element_type3A_461 = arith.extui %eq3A_460 : i1 to i32
      %cond3A_462 = arith.constant 0 : i32
      %cond3A_463 = arith.cmpi ne, %convert_element_type3A_461, %cond3A_462 : i32
      scf.if %cond3A_463 {
        %jit3A_530 = arith.constant 24 : i32
        %div3A_531 = arith.divsi %scan3A_444, %jit3A_530 : i32
        %sign3A_532 = arith.constant 0 : i32
        %sign3A_533 = arith.cmpi sgt, %scan3A_444, %sign3A_532 : i32
        %sign3A_534 = arith.extui %sign3A_533 : i1 to i32
        %sign3A_535 = arith.constant 0 : i32
        %sign3A_536 = arith.cmpi slt, %scan3A_444, %sign3A_535 : i32
        %sign3A_537 = arith.extui %sign3A_536 : i1 to i32
        %sign3A_538 = arith.subi %sign3A_534, %sign3A_537 : i32
        %sign3A_539 = arith.constant 0 : i32
        %sign3A_540 = arith.cmpi sgt, %jit3A_530, %sign3A_539 : i32
        %sign3A_541 = arith.extui %sign3A_540 : i1 to i32
        %sign3A_542 = arith.constant 0 : i32
        %sign3A_543 = arith.cmpi slt, %jit3A_530, %sign3A_542 : i32
        %sign3A_544 = arith.extui %sign3A_543 : i1 to i32
        %sign3A_545 = arith.subi %sign3A_541, %sign3A_544 : i32
        %ne3A_546 = arith.cmpi ne, %sign3A_538, %sign3A_545 : i32
        %rem3A_547 = arith.remsi %scan3A_444, %jit3A_530 : i32
        %ne3A_548 = arith.constant 0 : i32
        %ne3A_549 = arith.cmpi ne, %rem3A_547, %ne3A_548 : i32
        %and3A_550 = arith.andi %ne3A_546, %ne3A_549 : i1
        %sub3A_551 = arith.constant 1 : i32
        %sub3A_552 = arith.subi %div3A_531, %sub3A_551 : i32
        %select_n3A_553 = arith.select %and3A_550, %sub3A_552, %div3A_531 : i32
        %add3A_554 = arith.constant 1 : i32
        %add3A_555 = arith.addi %select_n3A_553, %add3A_554 : i32
        %lt3A_556 = arith.constant 17 : i32
        %lt3A_557 = arith.cmpi slt, %add3A_555, %lt3A_556 : i32
        %convert_element_type3A_558 = arith.extui %lt3A_557 : i1 to i32
        %cond3A_559 = arith.constant 0 : i32
        %cond3A_560 = arith.cmpi ne, %convert_element_type3A_558, %cond3A_559 : i32
        scf.if %cond3A_560 {
          %and3A_561 = arith.constant 1 : i32
          %and3A_562 = arith.andi %add3A_555, %and3A_561 : i32
          %mul3A_563 = arith.constant 408 : i32
          %mul3A_564 = arith.muli %arg1, %mul3A_563 : i32
          %mul3A_565 = arith.constant 24 : i32
          %mul3A_566 = arith.muli %add3A_555, %mul3A_565 : i32
          %add3A_567 = arith.addi %mul3A_564, %mul3A_566 : i32
          %dma_start3A_568 = arith.constant 0 : i32
          %dma_start3A_569 = arith.constant 0 : i32
          %dma_start3A_570 = arith.constant 0 : i32
          %dma_start3A_571 = tpu.memref_slice %arg5[%and3A_562, %dma_start3A_568, %dma_start3A_569, %dma_start3A_570] : memref<2x24x2x128xi32, #tpu.memory_space<vmem>> -> memref<1x24x2x128xi32, #tpu.memory_space<vmem>>
          %dma_start3A_572 = tpu.memref_squeeze %dma_start3A_571 : memref<1x24x2x128xi32, #tpu.memory_space<vmem>> -> memref<24x2x128xi32, #tpu.memory_space<vmem>>
          %dma_start3A_573 = arith.constant 0 : i32
          %dma_start3A_574 = arith.constant 0 : i32
          %dma_start3A_575 = tpu.memref_slice %arg3[%add3A_567, %dma_start3A_573, %dma_start3A_574] : memref<6528x2x128xi32, #tpu.memory_space<hbm>> -> memref<24x2x128xi32, #tpu.memory_space<hbm>>
          %dma_start3A_576 = tpu.memref_slice %arg9[%and3A_562] : memref<2x!tpu.dma_semaphore, #tpu.memory_space<semaphore_mem>> -> memref<1x!tpu.dma_semaphore, #tpu.memory_space<semaphore_mem>>
          %dma_start3A_577 = tpu.memref_squeeze %dma_start3A_576 : memref<1x!tpu.dma_semaphore, #tpu.memory_space<semaphore_mem>> -> memref<!tpu.dma_semaphore, #tpu.memory_space<semaphore_mem>>
          %dma_start3A_578 = arith.constant 0 : i32
          %dma_start3A_579 = arith.constant 0 : i32
          %dma_start3A_580 = arith.constant 0 : i32
          %dma_start3A_581 = tpu.memref_slice %arg5[%and3A_562, %dma_start3A_578, %dma_start3A_579, %dma_start3A_580] : memref<2x24x2x128xi32, #tpu.memory_space<vmem>> -> memref<1x24x2x128xi32, #tpu.memory_space<vmem>>
          %dma_start3A_582 = tpu.memref_squeeze %dma_start3A_581 : memref<1x24x2x128xi32, #tpu.memory_space<vmem>> -> memref<24x2x128xi32, #tpu.memory_space<vmem>>
          %dma_start3A_583 = arith.constant 0 : i32
          %dma_start3A_584 = arith.constant 0 : i32
          %dma_start3A_585 = tpu.memref_slice %arg3[%add3A_567, %dma_start3A_583, %dma_start3A_584] : memref<6528x2x128xi32, #tpu.memory_space<hbm>> -> memref<24x2x128xi32, #tpu.memory_space<hbm>>
          tpu.enqueue_dma source(%dma_start3A_585 : memref<24x2x128xi32, #tpu.memory_space<hbm>>) target(%dma_start3A_582 : memref<24x2x128xi32, #tpu.memory_space<vmem>>) target_semaphore(%dma_start3A_577 : memref<!tpu.dma_semaphore, #tpu.memory_space<semaphore_mem>>)
        } else {
        }
      } else {
      }
      %and3A_464 = arith.constant 3 : i32
      %and3A_465 = arith.andi %scan3A_444, %and3A_464 : i32
      %dma_wait3A_466 = arith.constant 0 : i32
      %dma_wait3A_467 = arith.constant 0 : i32
      %dma_wait3A_468 = tpu.memref_slice %arg7[%and3A_465, %dma_wait3A_466, %dma_wait3A_467] : memref<4x128x64xf32, #tpu.memory_space<vmem>> -> memref<1x128x64xf32, #tpu.memory_space<vmem>>
      %dma_wait3A_469 = tpu.memref_squeeze %dma_wait3A_468 : memref<1x128x64xf32, #tpu.memory_space<vmem>> -> memref<128x64xf32, #tpu.memory_space<vmem>>
      %dma_wait3A_470 = arith.constant 0 : i32
      %dma_wait3A_471 = tpu.memref_slice %arg6[%and3A_465, %dma_wait3A_470] : memref<4x128xi32, #tpu.memory_space<vmem>> -> memref<1x128xi32, #tpu.memory_space<vmem>>
      %dma_wait3A_472 = tpu.memref_squeeze %dma_wait3A_471 : memref<1x128xi32, #tpu.memory_space<vmem>> -> memref<128xi32, #tpu.memory_space<vmem>>
      %dma_wait3A_473 = arith.constant 0 : i32
      %dma_wait3A_474 = arith.constant 0 : i32
      %dma_wait3A_475 = tpu.memref_slice %arg2[%dma_wait3A_473, %dma_wait3A_474] : memref<20000x64xf32, #tpu.memory_space<hbm>> -> memref<20000x64xf32, #tpu.memory_space<hbm>>
      %dma_wait3A_476 = tpu.memref_slice %arg10[%and3A_465] : memref<4x!tpu.dma_semaphore, #tpu.memory_space<semaphore_mem>> -> memref<1x!tpu.dma_semaphore, #tpu.memory_space<semaphore_mem>>
      %dma_wait3A_477 = tpu.memref_squeeze %dma_wait3A_476 : memref<1x!tpu.dma_semaphore, #tpu.memory_space<semaphore_mem>> -> memref<!tpu.dma_semaphore, #tpu.memory_space<semaphore_mem>>
      tpu.wait_indirect_dma semaphore(%dma_wait3A_477 : memref<!tpu.dma_semaphore, #tpu.memory_space<semaphore_mem>>) src(%dma_wait3A_475 : memref<20000x64xf32, #tpu.memory_space<hbm>>) dst(%dma_wait3A_469 : memref<128x64xf32, #tpu.memory_space<vmem>>)
      %jit3A_478 = arith.constant 24 : i32
      %div3A = arith.divsi %scan3A_444, %jit3A_478 : i32
      %sign3A = arith.constant 0 : i32
      %sign3A_479 = arith.cmpi sgt, %scan3A_444, %sign3A : i32
      %sign3A_480 = arith.extui %sign3A_479 : i1 to i32
      %sign3A_481 = arith.constant 0 : i32
      %sign3A_482 = arith.cmpi slt, %scan3A_444, %sign3A_481 : i32
      %sign3A_483 = arith.extui %sign3A_482 : i1 to i32
      %sign3A_484 = arith.subi %sign3A_480, %sign3A_483 : i32
      %sign3A_485 = arith.constant 0 : i32
      %sign3A_486 = arith.cmpi sgt, %jit3A_478, %sign3A_485 : i32
      %sign3A_487 = arith.extui %sign3A_486 : i1 to i32
      %sign3A_488 = arith.constant 0 : i32
      %sign3A_489 = arith.cmpi slt, %jit3A_478, %sign3A_488 : i32
      %sign3A_490 = arith.extui %sign3A_489 : i1 to i32
      %sign3A_491 = arith.subi %sign3A_487, %sign3A_490 : i32
      %ne3A_492 = arith.cmpi ne, %sign3A_484, %sign3A_491 : i32
      %rem3A_493 = arith.remsi %scan3A_444, %jit3A_478 : i32
      %ne3A_494 = arith.constant 0 : i32
      %ne3A_495 = arith.cmpi ne, %rem3A_493, %ne3A_494 : i32
      %and3A_496 = arith.andi %ne3A_492, %ne3A_495 : i1
      %sub3A = arith.constant 1 : i32
      %sub3A_497 = arith.subi %div3A, %sub3A : i32
      %select_n3A_498 = arith.select %and3A_496, %sub3A_497, %div3A : i32
      %and3A_499 = arith.constant 1 : i32
      %and3A_500 = arith.andi %select_n3A_498, %and3A_499 : i32
      %jit3A_501 = arith.constant 24 : i32
      %eq3A_502 = arith.constant 0 : i32
      %eq3A_503 = arith.cmpi eq, %jit3A_501, %eq3A_502 : i32
      %jit3A_504 = arith.constant 1 : i32
      %select_n3A_505 = arith.select %eq3A_503, %jit3A_504, %jit3A_501 : i32
      %rem3A_506 = arith.remsi %scan3A_444, %select_n3A_505 : i32
      %ne3A_507 = arith.constant 0 : i32
      %ne3A_508 = arith.cmpi ne, %rem3A_506, %ne3A_507 : i32
      %lt3A_509 = arith.constant 0 : i32
      %lt3A_510 = arith.cmpi slt, %rem3A_506, %lt3A_509 : i32
      %lt3A_511 = arith.constant 0 : i32
      %lt3A_512 = arith.cmpi slt, %select_n3A_505, %lt3A_511 : i32
      %ne3A_513 = arith.xori %lt3A_510, %lt3A_512 : i1
      %and3A_514 = arith.andi %ne3A_513, %ne3A_508 : i1
      %add3A_515 = arith.addi %rem3A_506, %select_n3A_505 : i32
      %select_n3A_516 = arith.select %and3A_514, %add3A_515, %rem3A_506 : i32
      %dma_start3A_517 = arith.constant 1 : i32
      %dma_start3A_518 = arith.constant 0 : i32
      %dma_start3A_519 = arith.constant 0 : i32
      %dma_start3A_520 = tpu.memref_slice %arg7[%and3A_465, %dma_start3A_518, %dma_start3A_519] : memref<4x128x64xf32, #tpu.memory_space<vmem>> -> memref<1x128x64xf32, #tpu.memory_space<vmem>>
      %dma_start3A_521 = tpu.memref_squeeze %dma_start3A_520 : memref<1x128x64xf32, #tpu.memory_space<vmem>> -> memref<128x64xf32, #tpu.memory_space<vmem>>
      %dma_start3A_522 = arith.constant 0 : i32
      %dma_start3A_523 = tpu.memref_slice %arg5[%and3A_500, %select_n3A_516, %dma_start3A_517, %dma_start3A_522] : memref<2x24x2x128xi32, #tpu.memory_space<vmem>> -> memref<1x1x1x128xi32, #tpu.memory_space<vmem>>
      %dma_start3A_524 = tpu.memref_squeeze %dma_start3A_523 : memref<1x1x1x128xi32, #tpu.memory_space<vmem>> -> memref<128xi32, #tpu.memory_space<vmem>>
      %dma_start3A_525 = arith.constant 0 : i32
      %dma_start3A_526 = arith.constant 0 : i32
      %dma_start3A_527 = tpu.memref_slice %arg8[%dma_start3A_525, %dma_start3A_526] : memref<20480x64xf32, #tpu.memory_space<vmem_shared>> -> memref<20480x64xf32, #tpu.memory_space<vmem_shared>>
      %dma_start3A_528 = tpu.memref_slice %arg11[%and3A_465] : memref<4x!tpu.dma_semaphore, #tpu.memory_space<semaphore_mem>> -> memref<1x!tpu.dma_semaphore, #tpu.memory_space<semaphore_mem>>
      %dma_start3A_529 = tpu.memref_squeeze %dma_start3A_528 : memref<1x!tpu.dma_semaphore, #tpu.memory_space<semaphore_mem>> -> memref<!tpu.dma_semaphore, #tpu.memory_space<semaphore_mem>>
      tpu.enqueue_indirect_dma source(%dma_start3A_521 : memref<128x64xf32, #tpu.memory_space<vmem>>) target(%dma_start3A_527 : memref<20480x64xf32, #tpu.memory_space<vmem_shared>>) offsets(%dma_start3A_524 : memref<128xi32, #tpu.memory_space<vmem>>) semaphore(%dma_start3A_529 : memref<!tpu.dma_semaphore, #tpu.memory_space<semaphore_mem>>) {add = true}
    }
    %scan3A_364 = arith.constant 408 : i32
    %dma_wait3A_365 = arith.constant 0 : i32
    %dma_wait3A_366 = arith.constant 0 : i32
    %dma_wait3A_367 = arith.constant 20 : i32
    %dma_wait3A_368 = arith.constant 1 : i32
    %dma_wait3A_369 = arith.constant 0 : i32
    %dma_wait3A_370 = arith.constant 0 : i32
    %dma_wait3A_371 = arith.constant 0 : i32
    %dma_wait3A_372 = tpu.memref_slice %arg7[%dma_wait3A_365, %dma_wait3A_370, %dma_wait3A_371] : memref<4x128x64xf32, #tpu.memory_space<vmem>> -> memref<1x128x64xf32, #tpu.memory_space<vmem>>
    %dma_wait3A_373 = tpu.memref_squeeze %dma_wait3A_372 : memref<1x128x64xf32, #tpu.memory_space<vmem>> -> memref<128x64xf32, #tpu.memory_space<vmem>>
    %dma_wait3A_374 = arith.constant 0 : i32
    %dma_wait3A_375 = tpu.memref_slice %arg5[%dma_wait3A_366, %dma_wait3A_367, %dma_wait3A_368, %dma_wait3A_374] : memref<2x24x2x128xi32, #tpu.memory_space<vmem>> -> memref<1x1x1x128xi32, #tpu.memory_space<vmem>>
    %dma_wait3A_376 = tpu.memref_squeeze %dma_wait3A_375 : memref<1x1x1x128xi32, #tpu.memory_space<vmem>> -> memref<128xi32, #tpu.memory_space<vmem>>
    %dma_wait3A_377 = arith.constant 0 : i32
    %dma_wait3A_378 = arith.constant 0 : i32
    %dma_wait3A_379 = tpu.memref_slice %arg8[%dma_wait3A_377, %dma_wait3A_378] : memref<20480x64xf32, #tpu.memory_space<vmem_shared>> -> memref<20480x64xf32, #tpu.memory_space<vmem_shared>>
    %dma_wait3A_380 = tpu.memref_slice %arg11[%dma_wait3A_369] : memref<4x!tpu.dma_semaphore, #tpu.memory_space<semaphore_mem>> -> memref<1x!tpu.dma_semaphore, #tpu.memory_space<semaphore_mem>>
    %dma_wait3A_381 = tpu.memref_squeeze %dma_wait3A_380 : memref<1x!tpu.dma_semaphore, #tpu.memory_space<semaphore_mem>> -> memref<!tpu.dma_semaphore, #tpu.memory_space<semaphore_mem>>
    tpu.wait_indirect_dma semaphore(%dma_wait3A_381 : memref<!tpu.dma_semaphore, #tpu.memory_space<semaphore_mem>>) src(%dma_wait3A_373 : memref<128x64xf32, #tpu.memory_space<vmem>>) dst(%dma_wait3A_379 : memref<20480x64xf32, #tpu.memory_space<vmem_shared>>)
    %dma_wait3A_382 = arith.constant 1 : i32
    %dma_wait3A_383 = arith.constant 0 : i32
    %dma_wait3A_384 = arith.constant 21 : i32
    %dma_wait3A_385 = arith.constant 1 : i32
    %dma_wait3A_386 = arith.constant 1 : i32
    %dma_wait3A_387 = arith.constant 0 : i32
    %dma_wait3A_388 = arith.constant 0 : i32
    %dma_wait3A_389 = tpu.memref_slice %arg7[%dma_wait3A_382, %dma_wait3A_387, %dma_wait3A_388] : memref<4x128x64xf32, #tpu.memory_space<vmem>> -> memref<1x128x64xf32, #tpu.memory_space<vmem>>
    %dma_wait3A_390 = tpu.memref_squeeze %dma_wait3A_389 : memref<1x128x64xf32, #tpu.memory_space<vmem>> -> memref<128x64xf32, #tpu.memory_space<vmem>>
    %dma_wait3A_391 = arith.constant 0 : i32
    %dma_wait3A_392 = tpu.memref_slice %arg5[%dma_wait3A_383, %dma_wait3A_384, %dma_wait3A_385, %dma_wait3A_391] : memref<2x24x2x128xi32, #tpu.memory_space<vmem>> -> memref<1x1x1x128xi32, #tpu.memory_space<vmem>>
    %dma_wait3A_393 = tpu.memref_squeeze %dma_wait3A_392 : memref<1x1x1x128xi32, #tpu.memory_space<vmem>> -> memref<128xi32, #tpu.memory_space<vmem>>
    %dma_wait3A_394 = arith.constant 0 : i32
    %dma_wait3A_395 = arith.constant 0 : i32
    %dma_wait3A_396 = tpu.memref_slice %arg8[%dma_wait3A_394, %dma_wait3A_395] : memref<20480x64xf32, #tpu.memory_space<vmem_shared>> -> memref<20480x64xf32, #tpu.memory_space<vmem_shared>>
    %dma_wait3A_397 = tpu.memref_slice %arg11[%dma_wait3A_386] : memref<4x!tpu.dma_semaphore, #tpu.memory_space<semaphore_mem>> -> memref<1x!tpu.dma_semaphore, #tpu.memory_space<semaphore_mem>>
    %dma_wait3A_398 = tpu.memref_squeeze %dma_wait3A_397 : memref<1x!tpu.dma_semaphore, #tpu.memory_space<semaphore_mem>> -> memref<!tpu.dma_semaphore, #tpu.memory_space<semaphore_mem>>
    tpu.wait_indirect_dma semaphore(%dma_wait3A_398 : memref<!tpu.dma_semaphore, #tpu.memory_space<semaphore_mem>>) src(%dma_wait3A_390 : memref<128x64xf32, #tpu.memory_space<vmem>>) dst(%dma_wait3A_396 : memref<20480x64xf32, #tpu.memory_space<vmem_shared>>)
    %dma_wait3A_399 = arith.constant 2 : i32
    %dma_wait3A_400 = arith.constant 0 : i32
    %dma_wait3A_401 = arith.constant 22 : i32
    %dma_wait3A_402 = arith.constant 1 : i32
    %dma_wait3A_403 = arith.constant 2 : i32
    %dma_wait3A_404 = arith.constant 0 : i32
    %dma_wait3A_405 = arith.constant 0 : i32
    %dma_wait3A_406 = tpu.memref_slice %arg7[%dma_wait3A_399, %dma_wait3A_404, %dma_wait3A_405] : memref<4x128x64xf32, #tpu.memory_space<vmem>> -> memref<1x128x64xf32, #tpu.memory_space<vmem>>
    %dma_wait3A_407 = tpu.memref_squeeze %dma_wait3A_406 : memref<1x128x64xf32, #tpu.memory_space<vmem>> -> memref<128x64xf32, #tpu.memory_space<vmem>>
    %dma_wait3A_408 = arith.constant 0 : i32
    %dma_wait3A_409 = tpu.memref_slice %arg5[%dma_wait3A_400, %dma_wait3A_401, %dma_wait3A_402, %dma_wait3A_408] : memref<2x24x2x128xi32, #tpu.memory_space<vmem>> -> memref<1x1x1x128xi32, #tpu.memory_space<vmem>>
    %dma_wait3A_410 = tpu.memref_squeeze %dma_wait3A_409 : memref<1x1x1x128xi32, #tpu.memory_space<vmem>> -> memref<128xi32, #tpu.memory_space<vmem>>
    %dma_wait3A_411 = arith.constant 0 : i32
    %dma_wait3A_412 = arith.constant 0 : i32
    %dma_wait3A_413 = tpu.memref_slice %arg8[%dma_wait3A_411, %dma_wait3A_412] : memref<20480x64xf32, #tpu.memory_space<vmem_shared>> -> memref<20480x64xf32, #tpu.memory_space<vmem_shared>>
    %dma_wait3A_414 = tpu.memref_slice %arg11[%dma_wait3A_403] : memref<4x!tpu.dma_semaphore, #tpu.memory_space<semaphore_mem>> -> memref<1x!tpu.dma_semaphore, #tpu.memory_space<semaphore_mem>>
    %dma_wait3A_415 = tpu.memref_squeeze %dma_wait3A_414 : memref<1x!tpu.dma_semaphore, #tpu.memory_space<semaphore_mem>> -> memref<!tpu.dma_semaphore, #tpu.memory_space<semaphore_mem>>
    tpu.wait_indirect_dma semaphore(%dma_wait3A_415 : memref<!tpu.dma_semaphore, #tpu.memory_space<semaphore_mem>>) src(%dma_wait3A_407 : memref<128x64xf32, #tpu.memory_space<vmem>>) dst(%dma_wait3A_413 : memref<20480x64xf32, #tpu.memory_space<vmem_shared>>)
    %dma_wait3A_416 = arith.constant 3 : i32
    %dma_wait3A_417 = arith.constant 0 : i32
    %dma_wait3A_418 = arith.constant 23 : i32
    %dma_wait3A_419 = arith.constant 1 : i32
    %dma_wait3A_420 = arith.constant 3 : i32
    %dma_wait3A_421 = arith.constant 0 : i32
    %dma_wait3A_422 = arith.constant 0 : i32
    %dma_wait3A_423 = tpu.memref_slice %arg7[%dma_wait3A_416, %dma_wait3A_421, %dma_wait3A_422] : memref<4x128x64xf32, #tpu.memory_space<vmem>> -> memref<1x128x64xf32, #tpu.memory_space<vmem>>
    %dma_wait3A_424 = tpu.memref_squeeze %dma_wait3A_423 : memref<1x128x64xf32, #tpu.memory_space<vmem>> -> memref<128x64xf32, #tpu.memory_space<vmem>>
    %dma_wait3A_425 = arith.constant 0 : i32
    %dma_wait3A_426 = tpu.memref_slice %arg5[%dma_wait3A_417, %dma_wait3A_418, %dma_wait3A_419, %dma_wait3A_425] : memref<2x24x2x128xi32, #tpu.memory_space<vmem>> -> memref<1x1x1x128xi32, #tpu.memory_space<vmem>>
    %dma_wait3A_427 = tpu.memref_squeeze %dma_wait3A_426 : memref<1x1x1x128xi32, #tpu.memory_space<vmem>> -> memref<128xi32, #tpu.memory_space<vmem>>
    %dma_wait3A_428 = arith.constant 0 : i32
    %dma_wait3A_429 = arith.constant 0 : i32
    %dma_wait3A_430 = tpu.memref_slice %arg8[%dma_wait3A_428, %dma_wait3A_429] : memref<20480x64xf32, #tpu.memory_space<vmem_shared>> -> memref<20480x64xf32, #tpu.memory_space<vmem_shared>>
    %dma_wait3A_431 = tpu.memref_slice %arg11[%dma_wait3A_420] : memref<4x!tpu.dma_semaphore, #tpu.memory_space<semaphore_mem>> -> memref<1x!tpu.dma_semaphore, #tpu.memory_space<semaphore_mem>>
    %dma_wait3A_432 = tpu.memref_squeeze %dma_wait3A_431 : memref<1x!tpu.dma_semaphore, #tpu.memory_space<semaphore_mem>> -> memref<!tpu.dma_semaphore, #tpu.memory_space<semaphore_mem>>
    tpu.wait_indirect_dma semaphore(%dma_wait3A_432 : memref<!tpu.dma_semaphore, #tpu.memory_space<semaphore_mem>>) src(%dma_wait3A_424 : memref<128x64xf32, #tpu.memory_space<vmem>>) dst(%dma_wait3A_430 : memref<20480x64xf32, #tpu.memory_space<vmem_shared>>)
    %barrier3A_433 = arith.constant 0 : index
    tpu.barrier barrier_id(%barrier3A_433)
    %mul3A_434 = arith.constant 625 : i32
    %mul3A_435 = arith.muli %arg1, %mul3A_434 : i32
    %mul3A_436 = arith.constant 64 : i32
    %mul3A_437 = arith.muli %arg0, %mul3A_436 : i32
    "tpu.region"() ({
      %run_scoped3A = tpu.sem_alloc : memref<!tpu.dma_semaphore, #tpu.memory_space<semaphore_mem>>
      %dma_start3A_444 = tpu.memref_slice %arg4[%mul3A_435, %mul3A_437] : memref<10000x256xf32, #tpu.memory_space<hbm>> -> memref<625x64xf32, #tpu.memory_space<hbm>>
      %dma_start3A_445 = arith.constant 0 : i32
      %dma_start3A_446 = tpu.memref_slice %arg8[%mul3A_435, %dma_start3A_445] : memref<20480x64xf32, #tpu.memory_space<vmem_shared>> -> memref<625x64xf32, #tpu.memory_space<vmem_shared>>
      tpu.enqueue_dma source(%dma_start3A_446 : memref<625x64xf32, #tpu.memory_space<vmem_shared>>) target(%dma_start3A_444 : memref<625x64xf32, #tpu.memory_space<hbm>>) target_semaphore(%run_scoped3A : memref<!tpu.dma_semaphore, #tpu.memory_space<semaphore_mem>>)
      %dma_wait3A_447 = tpu.memref_slice %arg4[%mul3A_435, %mul3A_437] : memref<10000x256xf32, #tpu.memory_space<hbm>> -> memref<625x64xf32, #tpu.memory_space<hbm>>
      %dma_wait3A_448 = arith.constant 0 : i32
      %dma_wait3A_449 = tpu.memref_slice %arg8[%mul3A_435, %dma_wait3A_448] : memref<20480x64xf32, #tpu.memory_space<vmem_shared>> -> memref<625x64xf32, #tpu.memory_space<vmem_shared>>
      tpu.wait_dma2 semaphore(%run_scoped3A : memref<!tpu.dma_semaphore, #tpu.memory_space<semaphore_mem>>) src(%dma_wait3A_449 : memref<625x64xf32, #tpu.memory_space<vmem_shared>>) dst(%dma_wait3A_447 : memref<625x64xf32, #tpu.memory_space<hbm>>)
      tpu.yield
    }) : () -> ()
    %add3A_438 = arith.constant 10240 : i32
    %add3A_439 = arith.addi %add3A_438, %mul3A_435 : i32
    %mul3A_440 = arith.constant 64 : i32
    %mul3A_441 = arith.muli %arg0, %mul3A_440 : i32
    %add3A_442 = arith.constant 128 : i32
    %add3A_443 = arith.addi %add3A_442, %mul3A_441 : i32
    "tpu.region"() ({
      %run_scoped3A = tpu.sem_alloc : memref<!tpu.dma_semaphore, #tpu.memory_space<semaphore_mem>>
      %dma_start3A_444 = tpu.memref_slice %arg4[%mul3A_435, %add3A_443] : memref<10000x256xf32, #tpu.memory_space<hbm>> -> memref<625x64xf32, #tpu.memory_space<hbm>>
      %dma_start3A_445 = arith.constant 0 : i32
      %dma_start3A_446 = tpu.memref_slice %arg8[%add3A_439, %dma_start3A_445] : memref<20480x64xf32, #tpu.memory_space<vmem_shared>> -> memref<625x64xf32, #tpu.memory_space<vmem_shared>>
      tpu.enqueue_dma source(%dma_start3A_446 : memref<625x64xf32, #tpu.memory_space<vmem_shared>>) target(%dma_start3A_444 : memref<625x64xf32, #tpu.memory_space<hbm>>) target_semaphore(%run_scoped3A : memref<!tpu.dma_semaphore, #tpu.memory_space<semaphore_mem>>)
      %dma_wait3A_447 = tpu.memref_slice %arg4[%mul3A_435, %add3A_443] : memref<10000x256xf32, #tpu.memory_space<hbm>> -> memref<625x64xf32, #tpu.memory_space<hbm>>
      %dma_wait3A_448 = arith.constant 0 : i32
      %dma_wait3A_449 = tpu.memref_slice %arg8[%add3A_439, %dma_wait3A_448] : memref<20480x64xf32, #tpu.memory_space<vmem_shared>> -> memref<625x64xf32, #tpu.memory_space<vmem_shared>>
      tpu.wait_dma2 semaphore(%run_scoped3A : memref<!tpu.dma_semaphore, #tpu.memory_space<semaphore_mem>>) src(%dma_wait3A_449 : memref<625x64xf32, #tpu.memory_space<vmem_shared>>) dst(%dma_wait3A_447 : memref<625x64xf32, #tpu.memory_space<hbm>>)
      tpu.yield
    }) : () -> ()
    return
  }
}

</mosaic_0001>

<sc_bundles>
// kernel: kernel.3.cloned.1.call-start
scs
__scs_entry_jumppad:
0x0: {  	(pc) =	sbr.rel $0x88, $3  }
0x1: {  	(tag) =	ssettag $0x0;
	lr =	simm.s32 $0x1  }
0x2: {  	[smem:$0x3F9E] =	sst lr;
	_ =	strace $0xD0000000  }
0x3: {  	_ = 	snop  }
0x4: {  	_ = 	snop  }
0x5: {  	_ = 	snop  }
0x6: {  	_ = 	snop  }
0x7: {  	_ = 	snop  }
__scs_overlays_trampoline_lowered:
0x8: {  	[smem:$0x3FAD] =	sst s0  }
0x9: {  	[smem:$0x3FAE] =	sst s1  }
0xa: {  	[smem:$0x3FAF] =	sst s2  }
0xb: {  	[smem:$0x3FB0] =	sst s3  }
0xc: {  	[smem:$0x3FB1] =	sst s4  }
0xd: {  	[smem:$0x3FB2] =	sst s5  }
0xe: {  	[smem:$0x3FB3] =	sst s6  }
0xf: {  	[smem:$0x3FB4] =	sst s7  }
0x10: {  	[smem:$0x3FB5] =	sst s8  }
0x11: {  	[smem:$0x3FB6] =	sst s9;
	s0 =	simm.s32 @!p0 $0x0  }
0x12: {  	s1 =	sld [smem:$0x3F9C];
	s0 =	simm.s32 @p0 $0x1  }
0x13: {  	[smem:$0x3FB7] =	sst s0;
	s0 =	simm.s32 @!p1 $0x0  }
0x14: {  	s2 =	sld [smem:$0x3F9B];
	s0 =	simm.s32 @p1 $0x1  }
0x15: {  	[smem:$0x3FB8] =	sst s0;
	s0 =	simm.s32 @!p2 $0x0  }
0x16: {  	s3 =	sld [smem:$0x3FDB];
	s0 =	simm.s32 @p2 $0x1  }
0x17: {  	s4 =	simm.s32 $0x1BF5;
	[smem:$0x3FBA] =	sst s0  }
0x18: {  	s0 =	sld [smem:$0x3F9D];
	_ =	swait.ge [sflag:s4], $0x0  }
0x19: {  	s7 =	sld [smem:$0x3F9E]  }
0x1a: {  	s8 =	sadd.s32 $0xFFFFE003, lr  }
0x1b: {  	s9 =	sadd.s32 $0xFFFFFEF7, lr;
	s5 =	simm.s32 $0xFFFFFFFF;
	p2 =	slt.u32 s8, $0xFFFFF086  }
0x1c: {  	p1 =	slt.u32 s9, $0xF7A;
	s5 =	simm.s32 @!p2 $0x0  }
0x1d: {  	s5 =	simm.s32 @p1 $0x1;
	p0 =	seq.s32 s7, s2  }
0x1e: {  	s7 =	smul.u32 @!p0 $0xF7A, s2;
	p2 =	seq.s32 @!p0 s5, $0x0  }
0x1f: {  	s9 =	smul.u32 $0xF7A, s1;
	s8 =	simm.s32 @!p0 $0x1BF5;
	p2 =	por !p2, p0  }
0x20: {  	[sflag:s8] =	ssyncset.s32 @!p0 $0xFFFFF086;
	s6 =	sadd.s32 @!p0 s3, s7;
	s7 =	simm.s32 @!p0 $0x108  }
0x21: {  	s3 =	sadd.s32 s3, s9;
	s6 =	sadd.s32 @!p0 $0x88, s6;
	s7 =	simm.s32 @p2 $0x1082  }
0x22: {  	[simem:s7], [sflag:s8] =	dma.local @!p0 [hbm:s6], $0xF7A  }
0x23: {  	s9 =	sor.u32 $0xD0000000, s2;
	s6 =	simm.s32 $0x108;
	_ =	swait.ge @!p0 [sflag:s8], $0x0  }
0x24: {  	s3 =	sadd.s32 $0x88, s3;
	s6 =	simm.s32 @!p1 $0x1082;
	[sflag:s4] =	ssyncset.s32 $0xFFFFF086  }
0x25: {  	[simem:s6], [sflag:s4] =	dma.local [hbm:s3], $0xF7A  }
0x26: {  	[smem:$0x3F9E] =	sst s1;
	(tag) =	ssettag s2;
	_ =	strace s9  }
0x27: {  	s1 =	sld [smem:$0x3FAE]  }
0x28: {  	s2 =	sld [smem:$0x3FAF]  }
0x29: {  	s4 =	sld [smem:$0x3FB1]  }
0x2a: {  	p0 =	seq.s32 s5, $0x0;
	s5 =	sld [smem:$0x3FB2]  }
0x2b: {  	s6 =	sld [smem:$0x3FB3]  }
0x2c: {  	s7 =	sld [smem:$0x3FB4]  }
0x2d: {  	s3 =	simm.s32 $0x108;
	s8 =	sld [smem:$0x3FB5]  }
0x2e: {  	s3 =	simm.s32 @!p0 $0x1082;
	s9 =	sld [smem:$0x3FB6]  }
0x2f: {  	lr =	sadd.s32 s0, s3;
	s0 =	sld [smem:$0x3FAD]  }
0x30: {  	s3 =	sld [smem:$0x3FB0]  }
0x31: {  	[smem:$0x3FB9] =	sst s10  }
0x32: {  	s10 =	sld [smem:$0x3FB7];
	_ =	sdelay $0x3  }
0x33: {  	p0 =	seq.s32 s10, $0x1;
	s10 =	sld [smem:$0x3FB9];
	_ =	sdelay $0x3  }
0x34: {  	[smem:$0x3FB9] =	sst s10  }
0x35: {  	s10 =	sld [smem:$0x3FB8];
	_ =	sdelay $0x3  }
0x36: {  	p1 =	seq.s32 s10, $0x1;
	s10 =	sld [smem:$0x3FB9];
	_ =	sdelay $0x3  }
0x37: {  	[smem:$0x3FB9] =	sst s10  }
0x38: {  	s10 =	sld [smem:$0x3FBA]  }
0x39: {  	_ = 	snop;
	(pc) =	sbr.ind lr, $3  }
0x3a: {  	_ = 	snop  }
0x3b: {  	_ = 	snop  }
0x3c: {  	p2 =	seq.s32 s10, $0x1;
	s10 =	sld [smem:$0x3FB9]  }
0x3d: {  	_ =	shalt  }
0x3e: {  	_ =	shalt  }
0x3f: {  	_ =	shalt  }
0x40: {  	_ =	shalt  }
0x41: {  	_ =	shalt  }
0x42: {  	_ =	shalt  }
0x43: {  	_ =	shalt  }
0x44: {  	_ =	shalt  }
0x45: {  	_ =	shalt  }
0x46: {  	_ =	shalt  }
0x47: {  	_ =	shalt  }
0x48: {  	_ =	shalt  }
0x49: {  	_ =	shalt  }
0x4a: {  	_ =	shalt  }
0x4b: {  	_ =	shalt  }
0x4c: {  	_ =	shalt  }
0x4d: {  	_ =	shalt  }
0x4e: {  	_ =	shalt  }
0x4f: {  	_ =	shalt  }
0x50: {  	_ =	shalt  }
0x51: {  	_ =	shalt  }
0x52: {  	_ =	shalt  }
0x53: {  	_ =	shalt  }
0x54: {  	_ =	shalt  }
0x55: {  	_ =	shalt  }
0x56: {  	_ =	shalt  }
0x57: {  	_ =	shalt  }
0x58: {  	_ =	shalt  }
0x59: {  	_ =	shalt  }
0x5a: {  	_ =	shalt  }
0x5b: {  	_ =	shalt  }
0x5c: {  	_ =	shalt  }
0x5d: {  	_ =	shalt  }
0x5e: {  	_ =	shalt  }
0x5f: {  	_ =	shalt  }
0x60: {  	_ =	shalt  }
0x61: {  	_ =	shalt  }
0x62: {  	_ =	shalt  }
0x63: {  	_ =	shalt  }
0x64: {  	_ =	shalt  }
0x65: {  	_ =	shalt  }
0x66: {  	_ =	shalt  }
0x67: {  	_ =	shalt  }
0x68: {  	_ =	shalt  }
0x69: {  	_ =	shalt  }
0x6a: {  	_ =	shalt  }
0x6b: {  	_ =	shalt  }
0x6c: {  	_ =	shalt  }
0x6d: {  	_ =	shalt  }
0x6e: {  	_ =	shalt  }
0x6f: {  	_ =	shalt  }
0x70: {  	_ =	shalt  }
0x71: {  	_ =	shalt  }
0x72: {  	_ =	shalt  }
0x73: {  	_ =	shalt  }
0x74: {  	_ =	shalt  }
0x75: {  	_ =	shalt  }
0x76: {  	_ =	shalt  }
0x77: {  	_ =	shalt  }
0x78: {  	_ =	shalt  }
0x79: {  	_ =	shalt  }
0x7a: {  	_ =	shalt  }
0x7b: {  	_ =	shalt  }
0x7c: {  	_ =	shalt  }
0x7d: {  	_ =	shalt  }
0x7e: {  	_ =	shalt  }
0x7f: {  	_ =	shalt  }
0x80: {  	_ =	shalt  }
0x81: {  	_ =	shalt  }
0x82: {  	_ =	shalt  }
0x83: {  	_ =	shalt  }
0x84: {  	_ =	shalt  }
0x85: {  	_ =	shalt  }
0x86: {  	_ =	shalt  }
0x87: {  	_ =	shalt  }
.Lfunc_end0:
.L_simem_size_0:
called_computation_lowered:
.L_overlay_start_0:
0x88: {  	s2 =	sld [smem:$0x3FD9]  }
0x89: {  	s3 =	sld [smem:$0x3FFE];
	_ =	sdelay $0x1  }
0x8a: {  	s1 =	srdreg.scid  }
0x8b: {  	s0 =	sand.u32 $0x1, s1  }
0x8c: {  	s17 =	sshll.u32 s0, $0xA;
	s2 =	sadd.s32 s3, s2  }
0x8d: {  	s2 =	sadd.s32 s2, s17  }
0x8e: {  	[smem:$0x3FC5] =	sst s2  }
0x8f: {  	_ = 	snop  }
0x90: {  	s2 =	sld [smem:$0x3FD0];
	(tm) =	ssettm $0x1  }
0x91: {  	s18 =	sld [smem:$0x3FFB];
	_ =	sdelay $0x3  }
0x92: {  	_ =	strace s18  }
0x93: {  	s3 =	sld [smem:$0x3FFC];
	_ =	sdelay $0x3  }
0x94: {  	_ =	strace s3  }
0x95: {  	s3 =	sld [smem:$0x3FFD];
	_ =	sdelay $0x3  }
0x96: {  	_ =	strace s3  }
0x97: {  	_ =	strace $0x8FFFFFFF  }
0x98: {  	s19 =	sld [smem:$0x3FDB];
	_ =	sdelay $0x1  }
0x99: {  	s4 =	simm.s32 $_scs_section_size  }
0x9a: {  	s5 =	simm.s32 $_size__tile_overlayer_lowered;
	s6 =	simm.s32 $_tile_overlayer_lowered  }
0x9b: {  	s22 =	simm.s32 $0x1BFF;
	s21 =	sshll.u32 s6, $0x1;
	s3 =	sadd.s32 s4, s19  }
0x9c: {  	s7 =	simm.s32 $0x0;
	s20 =	sshll.u32 s5, $0x1;
	s5 =	sadd.s32 s21, s3  }
0x9d: {  	[timem:s7], [sflag:s22] =	dma.local [hbm:s5], s20  }
0x9e: {  	_ =	swait.ge [sflag:s22], s20  }
0x9f: {  	s4 =	ssub.s32 $0x0, s20;
	[sflag:s22] =	ssyncset.done $0x0  }
0xa0: {  	[sflag:s22] =	ssyncadd.s32 s4;
	_ =	sdelay $0x1  }
0xa1: {  	s23 =	simm.s32 $0x1B8B  }
0xa2: {  	_ =	swait.ge [sflag:s23], $0x1  }
0xa3: {  	[sflag:s23] =	ssyncset.done $0x0  }
0xa4: {  	s25 =	simm.s32 $0x1B8E;
	s24 =	sld [smem:$0x3FFE];
	[sflag:s23] =	ssyncadd.s32 $0xFFFFFFFF  }
0xa5: {  	s26 =	simm.s32 $execute0_lowered;
	[smem:$0x3FD2] =	sst s25  }
0xa6: {  	s5 =	sshll.u32 s26, $0x1;
	_ =	strace $0x80000046;
	[dreg:$0x1] =	wrdreg $0xFFFFFFFF  }
0xa7: {  	s28 =	simm.s32 $_size_execute0_lowered;
	s3 =	sadd.s32 s3, s5;
	[dreg:$0x0] =	wrdreg $0x0  }
0xa8: {  	s5 =	sshll.u32 s28, $0x1;
	[dreg:$0x2] =	wrdreg s3  }
0xa9: {  	[dreg:$0x3] =	wrdreg s5  }
0xaa: {  	[dreg:$0x4] =	wrdreg $0xC0  }
0xab: {  	_ =	task [dreg:s7], $0x5FFFF  }
0xac: {  	[dreg:$0x1] =	wrdreg $0xFFFFFFFF  }
0xad: {  	[dreg:$0x0] =	wrdreg $0x60  }
0xae: {  	[dreg:$0x2] =	wrdreg s24  }
0xaf: {  	[dreg:$0x3] =	wrdreg s2  }
0xb0: {  	[dreg:$0x4] =	wrdreg $0xB2000  }
0xb1: {  	[dreg:$0x5] =	wrdreg $0x9  }
0xb2: {  	_ =	task.clear_ibuf [dreg:s7], $0x6FFFF;
	_ =	strace $0x90000046  }
0xb3: {  	s29 =	simm.s32 $0x9;
	_ =	strace $0x80000048  }
0xb4: {  	_ =	swait.ge [sflag:s29], $0x1  }
0xb5: {  	[sflag:s29] =	ssyncadd.s32 $0xFFFFFFFF  }
0xb6: {  	_ =	strace $0x90000048  }
0xb7: {  	_ =	sfence  }
0xb8: {  	s30 =	sld [smem:$0x0];
	_ =	sdelay $0x2  }
0xb9: {  	s31 =	sshll.u32 s1, $0xD;
	s1 =	sshrl.u32 s1, $0x2  }
0xba: {  	s3 =	sand.u32 $0x4000, s31;
	s1 =	sadd.s32 s1, s30  }
0xbb: {  	s0 =	sor.u32 s3, s0;
	s1 =	sshll.u32 s1, $0x11  }
0xbc: {  	s0 =	sor.u32 s1, s0  }
0xbd: {  	s0 =	sadd.s32 $0x8F2B, s0  }
0xbe: {  	[sflag:s0] =	ssyncadd.remote.s32 $0x1  }
0xbf: {  	_ =	sfence.sel $0xFFFF  }
0xc0: {  	[dreg:$0x0] =	wrdreg $0xFFFFFFFF;
	(pc) =	sbr.abs _section_cstart, $3  }
0xc1: {  	[dreg:$0x1] =	wrdreg $0xFFFFFFFF  }
0xc2: {  	_ =	task.clear_ibuf [dreg:s7], $0x2FFFF;
	_ =	strace $0x9FFFFFFF  }
0xc3: {  	(tm) =	ssettm $0x7FFFFFFF  }
tec
execute0_lowered:
.L_overlay_start_1:
0x0: {  	(tag) =	ssettag $0x1  }
0x1: {  	s0 =	rddreg [dreg:$0x0]  }
0x2: {  	s1 =	rddreg [dreg:$0x1]  }
0x3: {  	s3 =	rddreg [dreg:$0x2]  }
0x4: {  	s4 =	simm.s32 $0x0;
	s2 =	srdreg.scid;
	s11 =	stileid.u32  }
0x5: {  	s31 =	simm.s32 $0x7;
	s28 =	simm.s32 $0xA;
	s22 =	smul.u32 $0x27100, s11  }
0x6: {  	s29 =	simm.s32 $0x20;
	[smem:$0x7FF] =	sst s4;
	s8 =	smul.u32 $0x3300, s11  }
0x7: {  	s2 =	sand.u32 $0x1, s2;
	s5 =	sadd.s32 $0x600, s0;
	s10 =	smul.u32 $0x50000, s11  }
0x8: {  	_ =	strace $0x80000047;
	s6 =	sshll.u32 s2, $0x6;
	s7 =	ssub.s32 $0x2, s2  }
0x9: {  	s2 =	smul.u32 $0x2710, s2;
	s6 =	sor.u32 s6, s22;
	s9 =	sshrl.u32 s7, $0x1  }
0xa: {  	s8 =	sadd.s32 s1, s8;
	s23 =	sshrl.u32 s10, $0x2;
	s4 =	sshrl.u32 s22, $0x2  }
0xb: {  	s22 =	simm.s32 $0x3200;
	s6 =	sshrl.u32 s6, $0x3;
	s7 =	ssub.s32 s7, s9  }
0xc: {  	[dreg:$0x4] =	wrdreg s8;
	s8 =	sadd.s32 s23, s3;
	s9 =	sadd.s32 s4, s3  }
0xd: {  	s23 =	simm.s32 $0xB;
	s4 =	simm.s32 $0x9;
	v0 =	vmov s2;
	s2 =	simm.s32 $0x0  }
0xe: {  	s0 =	sadd.s32 s6, s0;
	s6 =	smul.u32 $0x198, s11;
	s25 =	sadd.s32 $0xA0000, s9  }
0xf: {  	s26 =	smax.u32 s7, $0x1;
	s30 =	sadd.s32 $0x2000, s8;
	s14 =	sadd.s32 $0x4000, s8  }
0x10: {  	s15 =	sadd.s32 $0x6000, s8;
	s16 =	sadd.s32 $0x8000, s8;
	s17 =	sadd.s32 $0xA000, s8  }
.Ltmp0:
0x11: {  	s18 =	sadd.s32 $0xC000, s8;
	[dreg:$0x7] =	wrdreg s26;
	(pc) =	sbr.rel .LBB2_1-.Ltmp0, $4  }
0x12: {  	s19 =	sadd.s32 $0xE000, s8;
	s24 =	sadd.s32 $0x27800, s0;
	[dreg:$0x8] =	wrdreg s30  }
0x13: {  	s20 =	sadd.s32 $0x10000, s8;
	s0 =	sadd.s32 $0x27810, s0;
	[dreg:$0x5] =	wrdreg s24  }
0x14: {  	s21 =	sadd.s32 $0x12000, s8;
	s26 =	simm.s32 $0x80;
	[dreg:$0x6] =	wrdreg s0  }
0x15: {  	v1 =	vimm.f32 $0.0e+00;
	s24 =	sshrl.u32 s25, $0x3;
	s25 =	simm.s32 $0x1;
	s0 =	simm.s32 $0x8  }
.LBB2_8:
0x16: {  	_ =	swait.ge [sflag:s31], $0x2000  }
0x17: {  	[sflag:s31] =	ssyncset.done $0x0  }
0x18: {  	[sflag:s31] =	ssyncadd.s32 $0xFFFFE000  }
0x19: {  	_ =	swait.ge [sflag:s0], $0x2000  }
0x1a: {  	[sflag:s0] =	ssyncset.done $0x0  }
0x1b: {  	[sflag:s0] =	ssyncadd.s32 $0xFFFFE000  }
0x1c: {  	_ =	swait.ge [sflag:s4], $0x2000  }
0x1d: {  	[sflag:s4] =	ssyncset.done $0x0  }
0x1e: {  	[sflag:s4] =	ssyncadd.s32 $0xFFFFE000  }
0x1f: {  	_ =	swait.ge [sflag:s28], $0x2000  }
0x20: {  	[sflag:s28] =	ssyncset.done $0x0  }
0x21: {  	s7 =	stileid.u32;
	[sflag:s28] =	ssyncadd.s32 $0xFFFFE000  }
0x22: {  	s7 =	sshll.u32 s7, $0x6;
	[bflag:$0x0] =	sbarrier.arrive $0xFFFF  }
0x23: {  	s10 =	sshrl.u32 s9, $0x3;
	s7 =	sor.u32 $0x1C0B, s7;
	s11 =	rddreg [dreg:$0x5]  }
0x24: {  	[hbm:s11@s29], [sflag:s7] =	dma.strided [spmem:s10@s0], $0x1388, s25, $0x8   }
0x25: {  	_ =	swait.ge [sflag:s23], $0x1388  }
0x26: {  	[sflag:s23] =	ssyncset.done $0x0  }
0x27: {  	s13 =	rddreg [dreg:$0x6];
	[sflag:s23] =	ssyncadd.s32 $0xFFFFEC78  }
0x28: {  	[hbm:s13@s29], [sflag:s7] =	dma.strided [spmem:s24@s0], $0x1388, s25, $0x8   }
0x29: {  	_ =	swait.ge [sflag:s23], $0x1388  }
0x2a: {  	s2 =	sadd.s32 $0x1, s2;
	s30 =	rddreg [dreg:$0x7]  }
0x2b: {  	p0 =	sne.s32 s2, s30  }
.Ltmp1:
0x2c: {  	_ = 	snop;
	(pc) =	sbr.rel @!p0 .LBB2_9-.Ltmp1, $3  }
0x2d: {  	_ =	sdelay $0x1  }
0x2e: {  	[sflag:s23] =	ssyncset.done $0x0  }
0x2f: {  	[sflag:s23] =	ssyncadd.s32 $0xFFFFEC78  }
.LBB2_1:
0x30: {  	s7 =	simm.s32 $0x0;
	s10 =	rddreg [dreg:$0x4]  }
0x31: {  	[tilespmem:s7], [sflag:$0x1] =	stream.linear.gather [hbm4b:s10+s7], $0x1800, $0x38;
	[tilespmem:$0x1F200] =	vst v63  }
0x32: {  	s30 =	simm.s32 $0x0;
	s7 =	simm.s32 $0x100  }
.LBB2_2:
0x33: {  	p0 =	sne.s32 s7, $0x7F00;
	[tilespmem:s30+$0x3230] =	vst v1;
	s10 =	smov.u32 s7;
	s7 =	sadd.s32 $0x100, s7  }
.Ltmp2:
0x34: {  	[tilespmem:s30+$0x3220] =	vst v1;
	(pc) =	sbr.rel @p0 .LBB2_2-.Ltmp2, $3  }
0x35: {  	[tilespmem:s30+$0x3200] =	vst v1  }
0x36: {  	[tilespmem:s30+$0x3210] =	vst v1;
	_ =	sdelay $0x1  }
0x37: {  	s30 =	sshra.s32 s10, $0x2  }
0x38: {  	[tilespmem:s30+$0x3230] =	vst v1  }
0x39: {  	[tilespmem:s30+$0x3220] =	vst v1  }
0x3a: {  	[tilespmem:s30+$0x3200] =	vst v1  }
0x3b: {  	[tilespmem:s30+$0x3210] =	vst v1  }
0x3c: {  	[spmem:s8] =	stream.linear.scatter [tilespmem:s22], [sflag:$0xB], $0x2000, $0x38;
	[tilespmem:$0x1F200] =	vst v63  }
0x3d: {  	_ =	swait.ge [sflag:s23], $0x2000  }
0x3e: {  	[sflag:s23] =	ssyncset.done $0x0  }
0x3f: {  	s7 =	rddreg [dreg:$0x8];
	[sflag:s23] =	ssyncadd.s32 $0xFFFFE000  }
0x40: {  	[spmem:s7] =	stream.linear.scatter [tilespmem:s22], [sflag:$0xB], $0x2000, $0x38;
	[tilespmem:$0x1F200] =	vst v63  }
0x41: {  	_ =	swait.ge [sflag:s23], $0x2000  }
0x42: {  	[sflag:s23] =	ssyncset.done $0x0  }
0x43: {  	[sflag:s23] =	ssyncadd.s32 $0xFFFFE000  }
0x44: {  	[spmem:s14] =	stream.linear.scatter [tilespmem:s22], [sflag:$0xB], $0x2000, $0x38;
	[tilespmem:$0x1F200] =	vst v63  }
0x45: {  	_ =	swait.ge [sflag:s23], $0x2000  }
0x46: {  	[sflag:s23] =	ssyncset.done $0x0  }
0x47: {  	[sflag:s23] =	ssyncadd.s32 $0xFFFFE000  }
0x48: {  	[spmem:s15] =	stream.linear.scatter [tilespmem:s22], [sflag:$0xB], $0x2000, $0x38;
	[tilespmem:$0x1F200] =	vst v63  }
0x49: {  	_ =	swait.ge [sflag:s23], $0x2000  }
0x4a: {  	[sflag:s23] =	ssyncset.done $0x0  }
0x4b: {  	[sflag:s23] =	ssyncadd.s32 $0xFFFFE000  }
0x4c: {  	[spmem:s16] =	stream.linear.scatter [tilespmem:s22], [sflag:$0xB], $0x2000, $0x38;
	[tilespmem:$0x1F200] =	vst v63  }
0x4d: {  	_ =	swait.ge [sflag:s23], $0x2000  }
0x4e: {  	[sflag:s23] =	ssyncset.done $0x0  }
0x4f: {  	[sflag:s23] =	ssyncadd.s32 $0xFFFFE000  }
0x50: {  	[spmem:s17] =	stream.linear.scatter [tilespmem:s22], [sflag:$0xB], $0x2000, $0x38;
	[tilespmem:$0x1F200] =	vst v63  }
0x51: {  	_ =	swait.ge [sflag:s23], $0x2000  }
0x52: {  	[sflag:s23] =	ssyncset.done $0x0  }
0x53: {  	[sflag:s23] =	ssyncadd.s32 $0xFFFFE000  }
0x54: {  	[spmem:s18] =	stream.linear.scatter [tilespmem:s22], [sflag:$0xB], $0x2000, $0x38;
	[tilespmem:$0x1F200] =	vst v63  }
0x55: {  	_ =	swait.ge [sflag:s23], $0x2000  }
0x56: {  	[sflag:s23] =	ssyncset.done $0x0  }
0x57: {  	[sflag:s23] =	ssyncadd.s32 $0xFFFFE000  }
0x58: {  	[spmem:s19] =	stream.linear.scatter [tilespmem:s22], [sflag:$0xB], $0x2000, $0x38;
	[tilespmem:$0x1F200] =	vst v63  }
0x59: {  	_ =	swait.ge [sflag:s23], $0x2000  }
0x5a: {  	[sflag:s23] =	ssyncset.done $0x0  }
0x5b: {  	[sflag:s23] =	ssyncadd.s32 $0xFFFFE000  }
0x5c: {  	[spmem:s20] =	stream.linear.scatter [tilespmem:s22], [sflag:$0xB], $0x2000, $0x38;
	[tilespmem:$0x1F200] =	vst v63  }
0x5d: {  	_ =	swait.ge [sflag:s23], $0x2000  }
0x5e: {  	[sflag:s23] =	ssyncset.done $0x0  }
0x5f: {  	[sflag:s23] =	ssyncadd.s32 $0xFFFFE000  }
0x60: {  	[spmem:s21] =	stream.linear.scatter [tilespmem:s22], [sflag:$0xB], $0x2000, $0x38;
	[tilespmem:$0x1F200] =	vst v63  }
0x61: {  	_ =	swait.ge [sflag:s23], $0x2000  }
0x62: {  	[sflag:s23] =	ssyncset.done $0x0  }
0x63: {  	[sflag:s23] =	ssyncadd.s32 $0xFFFFE000  }
0x64: {  	_ =	swait.ge [sflag:s25], $0x1800  }
0x65: {  	[sflag:s25] =	ssyncset.done $0x0  }
0x66: {  	[sflag:s25] =	ssyncadd.s32 $0xFFFFE800  }
0x67: {  	[bflag:$0x0] =	sbarrier.arrive $0xFFFF  }
0x68: {  	v2 =	vld [tilespmem:$0x0]  }
0x69: {  	v3 =	vld [tilespmem:$0x10]  }
0x6a: {  	v4 =	vld [tilespmem:$0x20]  }
0x6b: {  	v5 =	vld [tilespmem:$0x30]  }
0x6c: {  	v6 =	vld [tilespmem:$0x40]  }
0x6d: {  	v7 =	vld [tilespmem:$0x50];
	v2 =	vadd.s32 v0, v2  }
0x6e: {  	[tilespmem:$0x3000] =	vst v2;
	v2 =	vadd.s32 v0, v3;
	v3 =	vld [tilespmem:$0x60]  }
0x6f: {  	v58 =	vld [tilespmem:$0x70];
	[tilespmem:$0x3010] =	vst v2;
	v2 =	vadd.s32 v0, v4  }
0x70: {  	[tilespmem:$0x3020] =	vst v2;
	v2 =	vadd.s32 v0, v5  }
0x71: {  	[tilespmem:$0x3030] =	vst v2;
	v2 =	vadd.s32 v0, v6  }
0x72: {  	[tilespmem:$0x3040] =	vst v2;
	v2 =	vadd.s32 v0, v7  }
0x73: {  	[tilespmem:$0x3050] =	vst v2;
	v2 =	vadd.s32 v0, v3  }
0x74: {  	[tilespmem:$0x3060] =	vst v2;
	v2 =	vadd.s32 v0, v58  }
0x75: {  	s12 =	simm.s32 $0x3000;
	[tilespmem:$0x3070] =	vst v2  }
0x76: {  	[tilespmem:s22], [sflag:$0x3] =	stream.indirect.gather [hbm4b:s5+s26], $0x40, s12, s26, $0xb8;
	[tilespmem:$0x1F200] =	vst v63  }
0x77: {  	v2 =	vld [tilespmem:$0x100]  }
0x78: {  	v3 =	vld [tilespmem:$0x110]  }
0x79: {  	v59 =	vld [tilespmem:$0x120]  }
0x7a: {  	v60 =	vld [tilespmem:$0x130]  }
0x7b: {  	v61 =	vld [tilespmem:$0x140]  }
0x7c: {  	v62 =	vld [tilespmem:$0x150];
	v2 =	vadd.s32 v0, v2  }
0x7d: {  	[tilespmem:$0x3080] =	vst v2;
	v2 =	vadd.s32 v0, v3;
	v3 =	vld [tilespmem:$0x160]  }
0x7e: {  	v63 =	vld [tilespmem:$0x170];
	[tilespmem:$0x3090] =	vst v2;
	v2 =	vadd.s32 v0, v59  }
0x7f: {  	[tilespmem:$0x30A0] =	vst v2;
	v2 =	vadd.s32 v0, v60  }
0x80: {  	[tilespmem:$0x30B0] =	vst v2;
	v2 =	vadd.s32 v0, v61  }
.Ltmp3:
0x81: {  	[tilespmem:$0x30C0] =	vst v2;
	v2 =	vadd.s32 v0, v62;
	(pc) =	sbr.rel .LBB2_4-.Ltmp3, $4  }
0x82: {  	[tilespmem:$0x30D0] =	vst v2;
	v2 =	vadd.s32 v0, v3  }
0x83: {  	[tilespmem:$0x30E0] =	vst v2;
	v2 =	vadd.s32 v0, v63  }
0x84: {  	s13 =	simm.s32 $0x3080;
	s10 =	simm.s32 $0x5200;
	s30 =	simm.s32 $0x0;
	[tilespmem:$0x30F0] =	vst v2  }
0x85: {  	[tilespmem:s10], [sflag:$0x4] =	stream.indirect.gather [hbm4b:s5+s26], $0x40, s13, s26, $0xb8;
	[tilespmem:$0x1F200] =	vst v63  }
.LBB2_6:
0x86: {  	s7 =	sadd.s32 $0x2, s30  }
0x87: {  	s10 =	smul.u32 $0xAAAB, s7;
	_ =	sdelay $0x1  }
0x88: {  	s10 =	sshrl.u32 s10, $0x14  }
0x89: {  	s11 =	smul.u32 $0x18, s10;
	_ =	sdelay $0x1  }
0x8a: {  	p0 =	slt.u32 s30, $0x2;
	s12 =	sand.u32 $0x3, s7;
	s7 =	ssub.s32 s7, s11  }
0x8b: {  	s11 =	sadd.s32 @!p0 $0x7, s12;
	s13 =	sand.u32 $0xFFFF, s7  }
0x8c: {  	_ =	swait.ge @!p0 [sflag:s11], $0x2000;
	p1 =	sne.s32 s13, $0x0  }
0x8d: {  	s7 =	sshll.u32 s7, $0x8;
	[sflag:s11] =	ssyncset.done @!p0 $0x0;
	s13 =	sand.u32 @!p1 $0x1, s10  }
0x8e: {  	[sflag:s11] =	ssyncadd.s32 @!p0 $0xFFFFE000;
	s10 =	sand.u32 $0x1, s10;
	s11 =	sadd.s32 @!p1 $0x1, s13  }
0x8f: {  	p0 =	seq.s32 s10, $0x1;
	s10 =	simm.s32 $0x1800;
	_ =	swait.ge @!p1 [sflag:s11], $0x1800  }
0x90: {  	s7 =	sand.u32 $0xFF00, s7;
	s10 =	simm.s32 @!p0 $0x0;
	[sflag:s11] =	ssyncset.done @!p1 $0x0  }
0x91: {  	s7 =	sadd.s32 s7, s10;
	[sflag:s11] =	ssyncadd.s32 @!p1 $0xFFFFE800  }
0x92: {  	v2 =	vld [tilespmem:s7+$0x0];
	_ =	sdelay $0x4  }
0x93: {  	s10 =	sshll.u32 s12, $0x7;
	v2 =	vadd.s32 v0, v2  }
0x94: {  	[tilespmem:s10+$0x3000] =	vst v2  }
0x95: {  	v2 =	vld [tilespmem:s7+$0x10];
	_ =	sdelay $0x4  }
0x96: {  	v2 =	vadd.s32 v0, v2  }
0x97: {  	[tilespmem:s10+$0x3010] =	vst v2  }
0x98: {  	v2 =	vld [tilespmem:s7+$0x20];
	_ =	sdelay $0x4  }
0x99: {  	v2 =	vadd.s32 v0, v2  }
0x9a: {  	[tilespmem:s10+$0x3020] =	vst v2  }
0x9b: {  	v2 =	vld [tilespmem:s7+$0x30];
	_ =	sdelay $0x4  }
0x9c: {  	v2 =	vadd.s32 v0, v2  }
0x9d: {  	[tilespmem:s10+$0x3030] =	vst v2  }
0x9e: {  	v2 =	vld [tilespmem:s7+$0x40];
	_ =	sdelay $0x4  }
0x9f: {  	v2 =	vadd.s32 v0, v2  }
0xa0: {  	[tilespmem:s10+$0x3040] =	vst v2  }
0xa1: {  	v2 =	vld [tilespmem:s7+$0x50];
	_ =	sdelay $0x4  }
0xa2: {  	v2 =	vadd.s32 v0, v2  }
0xa3: {  	[tilespmem:s10+$0x3050] =	vst v2  }
0xa4: {  	v2 =	vld [tilespmem:s7+$0x60];
	_ =	sdelay $0x2  }
0xa5: {  	s13 =	smul.u32 $0xAAAB, s30;
	_ =	sdelay $0x1  }
0xa6: {  	s11 =	sshrl.u32 s13, $0x14;
	v2 =	vadd.s32 v0, v2  }
0xa7: {  	s11 =	smul.u32 $0x18, s11;
	[tilespmem:s10+$0x3060] =	vst v2  }
0xa8: {  	v2 =	vld [tilespmem:s7+$0x70]  }
0xa9: {  	s11 =	ssub.s32 s30, s11  }
0xaa: {  	s13 =	sand.u32 $0xFFFF, s11  }
0xab: {  	p0 =	sne.s32 s13, $0x4  }
0xac: {  	p1 =	sgt.u32 @!p0 s30, $0x17F  }
0xad: {  	s13 =	sshll.u32 s12, $0xD;
	s12 =	sadd.s32 $0x3, s12;
	p2 =	por p1, p0;
	v2 =	vadd.s32 v0, v2  }
0xae: {  	s7 =	sor.u32 $0x3000, s10;
	[tilespmem:s10+$0x3070] =	vst v2;
	s10 =	sadd.s32 $0x3200, s13;
	s13 =	smul.u32 @!p2 $0xAAAB, s30  }
0xaf: {  	[tilespmem:s10], [sflag:s12] =	stream.indirect.gather [hbm4b:s5+s26], $0x40, s7, s26, $0xb8;
	[tilespmem:$0x1F200] =	vst v63  }
0xb0: {  	s7 =	sshrl.u32 @!p2 s13, $0x14  }
0xb1: {  	s7 =	sadd.s32 @!p2 $0x1, s7  }
0xb2: {  	s10 =	sand.u32 @!p2 $0x1, s7;
	s7 =	smul.u32 @!p2 $0x18, s7;
	_ =	sdelay $0x1  }
0xb3: {  	s12 =	smul.u32 @!p2 $0x6000, s10;
	s7 =	sadd.s32 @!p2 s6, s7  }
0xb4: {  	s13 =	simm.s32 @!p2 $0x0;
	s7 =	sshll.u32 @!p2 s7, $0x5  }
0xb5: {  	s10 =	sadd.s32 @!p2 $0x1, s10;
	s12 =	sshrl.u32 @!p2 s12, $0x2;
	s7 =	sadd.s32 @!p2 s1, s7  }
0xb6: {  	[tilespmem:s12], [sflag:s10] =	stream.linear.gather @!p2 [hbm4b:s7+s13], $0x1800, $0x38;
	[tilespmem:$0x1F200] =	vst v63  }
0xb7: {  	p1 =	por !p1, p0;
	s7 =	smov.u32 s11  }
0xb8: {  	s7 =	simm.s32 @p1 $0x4  }
0xb9: {  	s7 =	smov.u32 @p0 s11  }
.LBB2_7:
0xba: {  	s10 =	sand.u32 $0xFFFF, s30  }
0xbb: {  	s10 =	smul.u32 $0xAAAB, s10;
	_ =	sdelay $0x1  }
0xbc: {  	s10 =	sshrl.u32 s10, $0x14  }
0xbd: {  	s11 =	sand.u32 $0x3, s30;
	s10 =	sand.u32 $0x1, s10  }
0xbe: {  	s30 =	sadd.s32 $0x1, s30;
	p0 =	seq.s32 s10, $0x1;
	s10 =	simm.s32 $0x1800  }
0xbf: {  	s10 =	simm.s32 @!p0 $0x0;
	p0 =	sne.s32 s30, $0x198  }
.Ltmp4:
0xc0: {  	s7 =	sshll.u32 s7, $0x8;
	s13 =	sadd.s32 $0x3, s11;
	(pc) =	sbr.rel @!p0 .LBB2_8-.Ltmp4, $4  }
0xc1: {  	s12 =	sshll.u32 s11, $0xD;
	s7 =	sand.u32 $0x3F00, s7;
	_ =	swait.ge [sflag:s13], $0x2000  }
0xc2: {  	s11 =	sadd.s32 $0x7, s11;
	[sflag:s13] =	ssyncset.done $0x0;
	s7 =	sadd.s32 s7, s10  }
0xc3: {  	s12 =	sadd.s32 $0x3200, s12;
	[sflag:s13] =	ssyncadd.s32 $0xFFFFE000;
	s7 =	sor.u32 $0x80, s7  }
0xc4: {  	[spmem:s3] =	stream.indirect.scatter.add.f32 [tilespmem:s12], [sflag:s11], $0x40, s7, s26, $0xb8;
	[tilespmem:$0x1F200] =	vst v63  }
.LBB2_4:
0xc5: {  	p0 =	slt.u32 s30, $0x196  }
.Ltmp5:
0xc6: {  	_ = 	snop;
	(pc) =	sbr.rel @p0 .LBB2_6-.Ltmp5, $1  }
0xc7: {  	_ =	sdelay $0x3  }
0xc8: {  	s7 =	smul.u32 $0xAAAB, s30  }
.Ltmp6:
0xc9: {  	_ = 	snop;
	(pc) =	sbr.rel .LBB2_7-.Ltmp6, $3  }
0xca: {  	s7 =	sshrl.u32 s7, $0x14  }
0xcb: {  	s7 =	smul.u32 $0x18, s7;
	_ =	sdelay $0x1  }
0xcc: {  	s7 =	ssub.s32 s30, s7  }
.LBB2_9:
0xcd: {  	_ =	sfence.sel $0x180000  }
0xce: {  	[bflag:$0x0] =	sbarrier.arrive $0xFFFF  }
0xcf: {  	_ =	strace $0x90000047  }
0xd0: {  	s0 =	stileid.u32;
	[bflag:$0x2] =	sbarrier.arrive $0xFFFF  }
0xd1: {  	p0 =	sne.s32 s0, $0x0;
	s0 =	rddreg [dreg:$0x3]  }
0xd2: {  	s0 =	sadd.s32 @!p0 $0x100000, s0  }
0xd3: {  	[sflag:s0] =	ssyncadd.tile.s32 @!p0 $0x1;
	_ =	shalt  }
.Lfunc_end2:
_tile_overlayer_lowered:
.L_overlay_start_2:
0xd4: {  	(tag) =	ssettag $0x2  }
0xd5: {  	s0 =	rddreg [dreg:$0x0];
	s2 =	stileid.u32  }
0xd6: {  	s1 =	rddreg [dreg:$0x1];
	p0 =	sne.s32 s2, $0x0  }
0xd7: {  	s3 =	rddreg [dreg:$0x2];
	[bflag:$0x3] =	sbarrier.arrive $0xFFFF;
	s2 =	simm.s32 @!p0 $0x1C0B  }
0xd8: {  	[timem:s3], [sflag:s2] =	dma.local @!p0 [hbm:s0], s1  }
0xd9: {  	s0 =	simm.s32 @!p0 $0xB  }
0xda: {  	_ =	swait.ge @!p0 [sflag:s0], s1  }
0xdb: {  	s1 =	ssub.s32 @!p0 $0x0, s1;
	[sflag:s0] =	ssyncset.done @!p0 $0x0  }
0xdc: {  	[sflag:s0] =	ssyncadd.s32 @!p0 s1  }
0xdd: {  	[bflag:$0x3] =	sbarrier.arrive $0xFFFF  }
0xde: {  	_ =	shalt  }

</sc_bundles>
